<compile_context>
chip_gen: v7x
topology: tpu7x:2x2x1
jax: 0.10.2.dev20260603
libtpu: 0.0.44.dev20260713+nightly
codegen_flags: <defaults>
</compile_context>

<pallas_src>
import functools

import jax
import jax.numpy as jnp
from jax import lax
from jax.experimental import pallas as pl
from jax.experimental.pallas import tpu as pltpu
from jax.experimental.pallas import tpu_sc as plsc

VOCAB = 1000000
EMBED = 32
ROWS = 16384
COLS = 26
NUM_CORES = 2
NUM_SUBCORES = 16
NW = NUM_CORES * NUM_SUBCORES
R_PER_W = ROWS // NW

_mesh = plsc.VectorSubcoreMesh(core_axis_name="c", subcore_axis_name="s")


@functools.partial(
    pl.kernel,
    mesh=_mesh,
    out_type=jax.ShapeDtypeStruct((ROWS, COLS, EMBED), jnp.float32),
    scratch_types=[
        pltpu.VMEM((COLS, R_PER_W), jnp.int32),
        pltpu.VMEM((R_PER_W, EMBED), jnp.float32),
        pltpu.VMEM((R_PER_W, EMBED), jnp.float32),
        pltpu.SemaphoreType.DMA,
        pltpu.SemaphoreType.DMA,
        pltpu.SemaphoreType.DMA,
        pltpu.SemaphoreType.DMA,
    ],
    compiler_params=pltpu.CompilerParams(use_tc_tiling_on_sc=False),
)
def _embed_gather(idxt_hbm, table_hbm, out_hbm, idx_v, rows0, rows1,
                  gsem0, gsem1, osem0, osem1):
    wid = lax.axis_index("s") * NUM_CORES + lax.axis_index("c")
    r0 = wid * R_PER_W
    pltpu.sync_copy(idxt_hbm.at[:, pl.ds(r0, R_PER_W)], idx_v)

    bufs = (rows0, rows1)
    gsems = (gsem0, gsem1)
    osems = (osem0, osem1)

    def start_gather(c):
        return pltpu.async_copy(
            table_hbm.at[idx_v.at[c]], bufs[c % 2], gsems[c % 2])

    def start_out(c):
        return pltpu.async_copy(
            bufs[c % 2], out_hbm.at[pl.ds(r0, R_PER_W), c], osems[c % 2])

    gcp = start_gather(0)
    gnext = start_gather(1)
    for c in range(COLS):
        gcp.wait()
        ocp = start_out(c)
        ocp.wait()
        if c + 2 < COLS:
            gcp, gnext = gnext, start_gather(c + 2)
        else:
            gcp = gnext


def kernel(x, weight):
    return _embed_gather(x.T.astype(jnp.int32), weight)

# --- scband reference (transcript-rebuilt; emitter-appended) ---
"""Pipeline reference for scband-discrete-embed-60241211294172 (READ-ONLY COPY).

The authoritative reference and input builder live on the scoring server;
editing this copy changes nothing except your own understanding.
"""

import jax, jax.numpy as jnp
import numpy as np

VOCAB = 1000000
EMBED = 32

def setup_inputs(seed: int = 0) -> dict:
    key = jax.random.key(seed)
    k_idx, k_w = jax.random.split(key)
    x = jax.random.randint(k_idx, (16384, 26), 0, VOCAB, dtype=jnp.int64) if jax.config.jax_enable_x64 else jax.random.randint(k_idx, (16384, 26), 0, VOCAB, dtype=jnp.int32)
    weight = jax.random.normal(k_w, (VOCAB, EMBED), dtype=jnp.float32) * 0.02
    return {"x": x, "weight": weight}

def reference(x, weight):
    # nn.Embedding forward: gather rows of the table by index
    return jnp.take(weight, x, axis=0)

if __name__ == "__main__":
    import jax
    _d = setup_inputs()
    print(jax.jit(kernel)(*tuple(_d.values())))

</pallas_src>

<mosaic_0001>
#map = affine_map<(d0, d1) -> (0, 0)>
#map1 = affine_map<(d0, d1) -> (0, 0, 0)>
module attributes {stable_mosaic.version = 14 : i64} {
  func.func @_embed_gather(%arg0: i32, %arg1: i32, %arg2: memref<26x16384xi32, #tpu.memory_space<hbm>>, %arg3: memref<1000000x32xf32, #tpu.memory_space<hbm>>, %arg4: memref<16384x26x32xf32, #tpu.memory_space<hbm>>, %arg5: memref<26x512xi32, #tpu.memory_space<vmem>>, %arg6: memref<512x32xf32, #tpu.memory_space<vmem>>, %arg7: memref<512x32xf32, #tpu.memory_space<vmem>>, %arg8: memref<!tpu.dma_semaphore, #tpu.memory_space<semaphore_mem>>, %arg9: memref<!tpu.dma_semaphore, #tpu.memory_space<semaphore_mem>>, %arg10: memref<!tpu.dma_semaphore, #tpu.memory_space<semaphore_mem>>, %arg11: memref<!tpu.dma_semaphore, #tpu.memory_space<semaphore_mem>>) attributes {dimension_semantics = [#tpu.dimension_semantics<core_parallel>, #tpu.dimension_semantics<subcore_parallel>], iteration_bounds = array<i64: 2, 16>, scalar_prefetch = 0 : i64, scratch_operands = 7 : i64, tpu.core_type = #tpu.core_type<sc_vector_subcore>, window_params = [{transform_indices = #map}, {transform_indices = #map}, {transform_indices = #map1}]} {
    %mul3A = arith.constant 2 : i32
    %mul3A_0 = arith.muli %arg1, %mul3A : i32
    %add3A = arith.addi %mul3A_0, %arg0 : i32
    %mul3A_1 = arith.constant 512 : i32
    %mul3A_2 = arith.muli %add3A, %mul3A_1 : i32
    "tpu.region"() ({
      %run_scoped3A = tpu.sem_alloc : memref<!tpu.dma_semaphore, #tpu.memory_space<semaphore_mem>>
      %dma_start3A_729 = arith.constant 0 : i32
      %dma_start3A_730 = tpu.memref_slice %arg2[%dma_start3A_729, %mul3A_2] : memref<26x16384xi32, #tpu.memory_space<hbm>> -> memref<26x512xi32, #tpu.memory_space<hbm>>
      %dma_start3A_731 = arith.constant 0 : i32
      %dma_start3A_732 = tpu.memref_slice %arg2[%dma_start3A_731, %mul3A_2] : memref<26x16384xi32, #tpu.memory_space<hbm>> -> memref<26x512xi32, #tpu.memory_space<hbm>>
      tpu.enqueue_dma source(%dma_start3A_732 : memref<26x512xi32, #tpu.memory_space<hbm>>) target(%arg5 : memref<26x512xi32, #tpu.memory_space<vmem>>) target_semaphore(%run_scoped3A : memref<!tpu.dma_semaphore, #tpu.memory_space<semaphore_mem>>)
      %dma_wait3A_733 = arith.constant 0 : i32
      %dma_wait3A_734 = tpu.memref_slice %arg2[%dma_wait3A_733, %mul3A_2] : memref<26x16384xi32, #tpu.memory_space<hbm>> -> memref<26x512xi32, #tpu.memory_space<hbm>>
      %dma_wait3A_735 = arith.constant 0 : i32
      %dma_wait3A_736 = tpu.memref_slice %arg2[%dma_wait3A_735, %mul3A_2] : memref<26x16384xi32, #tpu.memory_space<hbm>> -> memref<26x512xi32, #tpu.memory_space<hbm>>
      tpu.wait_dma2 semaphore(%run_scoped3A : memref<!tpu.dma_semaphore, #tpu.memory_space<semaphore_mem>>) src(%dma_wait3A_736 : memref<26x512xi32, #tpu.memory_space<hbm>>) dst(%arg5 : memref<26x512xi32, #tpu.memory_space<vmem>>)
      tpu.yield
    }) : () -> ()
    %dma_start3A = arith.constant 0 : i32
    %dma_start3A_3 = arith.constant 0 : i32
    %dma_start3A_4 = tpu.memref_slice %arg5[%dma_start3A, %dma_start3A_3] : memref<26x512xi32, #tpu.memory_space<vmem>> -> memref<1x512xi32, #tpu.memory_space<vmem>>
    %dma_start3A_5 = tpu.memref_squeeze %dma_start3A_4 : memref<1x512xi32, #tpu.memory_space<vmem>> -> memref<512xi32, #tpu.memory_space<vmem>>
    %dma_start3A_6 = arith.constant 0 : i32
    %dma_start3A_7 = arith.constant 0 : i32
    %dma_start3A_8 = tpu.memref_slice %arg3[%dma_start3A_6, %dma_start3A_7] : memref<1000000x32xf32, #tpu.memory_space<hbm>> -> memref<1000000x32xf32, #tpu.memory_space<hbm>>
    tpu.enqueue_indirect_dma source(%dma_start3A_8 : memref<1000000x32xf32, #tpu.memory_space<hbm>>) target(%arg6 : memref<512x32xf32, #tpu.memory_space<vmem>>) offsets(%dma_start3A_5 : memref<512xi32, #tpu.memory_space<vmem>>) semaphore(%arg8 : memref<!tpu.dma_semaphore, #tpu.memory_space<semaphore_mem>>)
    %dma_start3A_9 = arith.constant 1 : i32
    %dma_start3A_10 = arith.constant 0 : i32
    %dma_start3A_11 = tpu.memref_slice %arg5[%dma_start3A_9, %dma_start3A_10] : memref<26x512xi32, #tpu.memory_space<vmem>> -> memref<1x512xi32, #tpu.memory_space<vmem>>
    %dma_start3A_12 = tpu.memref_squeeze %dma_start3A_11 : memref<1x512xi32, #tpu.memory_space<vmem>> -> memref<512xi32, #tpu.memory_space<vmem>>
    %dma_start3A_13 = arith.constant 0 : i32
    %dma_start3A_14 = arith.constant 0 : i32
    %dma_start3A_15 = tpu.memref_slice %arg3[%dma_start3A_13, %dma_start3A_14] : memref<1000000x32xf32, #tpu.memory_space<hbm>> -> memref<1000000x32xf32, #tpu.memory_space<hbm>>
    tpu.enqueue_indirect_dma source(%dma_start3A_15 : memref<1000000x32xf32, #tpu.memory_space<hbm>>) target(%arg7 : memref<512x32xf32, #tpu.memory_space<vmem>>) offsets(%dma_start3A_12 : memref<512xi32, #tpu.memory_space<vmem>>) semaphore(%arg9 : memref<!tpu.dma_semaphore, #tpu.memory_space<semaphore_mem>>)
    %dma_wait3A = arith.constant 0 : i32
    %dma_wait3A_16 = arith.constant 0 : i32
    %dma_wait3A_17 = tpu.memref_slice %arg5[%dma_wait3A, %dma_wait3A_16] : memref<26x512xi32, #tpu.memory_space<vmem>> -> memref<1x512xi32, #tpu.memory_space<vmem>>
    %dma_wait3A_18 = tpu.memref_squeeze %dma_wait3A_17 : memref<1x512xi32, #tpu.memory_space<vmem>> -> memref<512xi32, #tpu.memory_space<vmem>>
    %dma_wait3A_19 = arith.constant 0 : i32
    %dma_wait3A_20 = arith.constant 0 : i32
    %dma_wait3A_21 = tpu.memref_slice %arg3[%dma_wait3A_19, %dma_wait3A_20] : memref<1000000x32xf32, #tpu.memory_space<hbm>> -> memref<1000000x32xf32, #tpu.memory_space<hbm>>
    tpu.wait_indirect_dma semaphore(%arg8 : memref<!tpu.dma_semaphore, #tpu.memory_space<semaphore_mem>>) src(%dma_wait3A_21 : memref<1000000x32xf32, #tpu.memory_space<hbm>>) dst(%arg6 : memref<512x32xf32, #tpu.memory_space<vmem>>)
    %dma_start3A_22 = arith.constant 0 : i32
    %dma_start3A_23 = arith.constant 0 : i32
    %dma_start3A_24 = tpu.memref_slice %arg4[%mul3A_2, %dma_start3A_22, %dma_start3A_23] : memref<16384x26x32xf32, #tpu.memory_space<hbm>> -> memref<512x1x32xf32, #tpu.memory_space<hbm>>
    %dma_start3A_25 = tpu.memref_squeeze %dma_start3A_24 : memref<512x1x32xf32, #tpu.memory_space<hbm>> -> memref<512x32xf32, #tpu.memory_space<hbm>>
    %dma_start3A_26 = arith.constant 0 : i32
    %dma_start3A_27 = tpu.memref_slice %arg4[%mul3A_2, %dma_start3A_22, %dma_start3A_26] : memref<16384x26x32xf32, #tpu.memory_space<hbm>> -> memref<512x1x32xf32, #tpu.memory_space<hbm>>
    %dma_start3A_28 = tpu.memref_squeeze %dma_start3A_27 : memref<512x1x32xf32, #tpu.memory_space<hbm>> -> memref<512x32xf32, #tpu.memory_space<hbm>>
    tpu.enqueue_dma source(%arg6 : memref<512x32xf32, #tpu.memory_space<vmem>>) target(%dma_start3A_28 : memref<512x32xf32, #tpu.memory_space<hbm>>) target_semaphore(%arg10 : memref<!tpu.dma_semaphore, #tpu.memory_space<semaphore_mem>>)
    %dma_wait3A_29 = arith.constant 0 : i32
    %dma_wait3A_30 = arith.constant 0 : i32
    %dma_wait3A_31 = tpu.memref_slice %arg4[%mul3A_2, %dma_wait3A_29, %dma_wait3A_30] : memref<16384x26x32xf32, #tpu.memory_space<hbm>> -> memref<512x1x32xf32, #tpu.memory_space<hbm>>
    %dma_wait3A_32 = tpu.memref_squeeze %dma_wait3A_31 : memref<512x1x32xf32, #tpu.memory_space<hbm>> -> memref<512x32xf32, #tpu.memory_space<hbm>>
    %dma_wait3A_33 = arith.constant 0 : i32
    %dma_wait3A_34 = tpu.memref_slice %arg4[%mul3A_2, %dma_wait3A_29, %dma_wait3A_33] : memref<16384x26x32xf32, #tpu.memory_space<hbm>> -> memref<512x1x32xf32, #tpu.memory_space<hbm>>
    %dma_wait3A_35 = tpu.memref_squeeze %dma_wait3A_34 : memref<512x1x32xf32, #tpu.memory_space<hbm>> -> memref<512x32xf32, #tpu.memory_space<hbm>>
    tpu.wait_dma2 semaphore(%arg10 : memref<!tpu.dma_semaphore, #tpu.memory_space<semaphore_mem>>) src(%arg6 : memref<512x32xf32, #tpu.memory_space<vmem>>) dst(%dma_wait3A_35 : memref<512x32xf32, #tpu.memory_space<hbm>>)
    %dma_start3A_36 = arith.constant 2 : i32
    %dma_start3A_37 = arith.constant 0 : i32
    %dma_start3A_38 = tpu.memref_slice %arg5[%dma_start3A_36, %dma_start3A_37] : memref<26x512xi32, #tpu.memory_space<vmem>> -> memref<1x512xi32, #tpu.memory_space<vmem>>
    %dma_start3A_39 = tpu.memref_squeeze %dma_start3A_38 : memref<1x512xi32, #tpu.memory_space<vmem>> -> memref<512xi32, #tpu.memory_space<vmem>>
    %dma_start3A_40 = arith.constant 0 : i32
    %dma_start3A_41 = arith.constant 0 : i32
    %dma_start3A_42 = tpu.memref_slice %arg3[%dma_start3A_40, %dma_start3A_41] : memref<1000000x32xf32, #tpu.memory_space<hbm>> -> memref<1000000x32xf32, #tpu.memory_space<hbm>>
    tpu.enqueue_indirect_dma source(%dma_start3A_42 : memref<1000000x32xf32, #tpu.memory_space<hbm>>) target(%arg6 : memref<512x32xf32, #tpu.memory_space<vmem>>) offsets(%dma_start3A_39 : memref<512xi32, #tpu.memory_space<vmem>>) semaphore(%arg8 : memref<!tpu.dma_semaphore, #tpu.memory_space<semaphore_mem>>)
    %dma_wait3A_43 = arith.constant 1 : i32
    %dma_wait3A_44 = arith.constant 0 : i32
    %dma_wait3A_45 = tpu.memref_slice %arg5[%dma_wait3A_43, %dma_wait3A_44] : memref<26x512xi32, #tpu.memory_space<vmem>> -> memref<1x512xi32, #tpu.memory_space<vmem>>
    %dma_wait3A_46 = tpu.memref_squeeze %dma_wait3A_45 : memref<1x512xi32, #tpu.memory_space<vmem>> -> memref<512xi32, #tpu.memory_space<vmem>>
    %dma_wait3A_47 = arith.constant 0 : i32
    %dma_wait3A_48 = arith.constant 0 : i32
    %dma_wait3A_49 = tpu.memref_slice %arg3[%dma_wait3A_47, %dma_wait3A_48] : memref<1000000x32xf32, #tpu.memory_space<hbm>> -> memref<1000000x32xf32, #tpu.memory_space<hbm>>
    tpu.wait_indirect_dma semaphore(%arg9 : memref<!tpu.dma_semaphore, #tpu.memory_space<semaphore_mem>>) src(%dma_wait3A_49 : memref<1000000x32xf32, #tpu.memory_space<hbm>>) dst(%arg7 : memref<512x32xf32, #tpu.memory_space<vmem>>)
    %dma_start3A_50 = arith.constant 1 : i32
    %dma_start3A_51 = arith.constant 0 : i32
    %dma_start3A_52 = tpu.memref_slice %arg4[%mul3A_2, %dma_start3A_50, %dma_start3A_51] : memref<16384x26x32xf32, #tpu.memory_space<hbm>> -> memref<512x1x32xf32, #tpu.memory_space<hbm>>
    %dma_start3A_53 = tpu.memref_squeeze %dma_start3A_52 : memref<512x1x32xf32, #tpu.memory_space<hbm>> -> memref<512x32xf32, #tpu.memory_space<hbm>>
    %dma_start3A_54 = arith.constant 0 : i32
    %dma_start3A_55 = tpu.memref_slice %arg4[%mul3A_2, %dma_start3A_50, %dma_start3A_54] : memref<16384x26x32xf32, #tpu.memory_space<hbm>> -> memref<512x1x32xf32, #tpu.memory_space<hbm>>
    %dma_start3A_56 = tpu.memref_squeeze %dma_start3A_55 : memref<512x1x32xf32, #tpu.memory_space<hbm>> -> memref<512x32xf32, #tpu.memory_space<hbm>>
    tpu.enqueue_dma source(%arg7 : memref<512x32xf32, #tpu.memory_space<vmem>>) target(%dma_start3A_56 : memref<512x32xf32, #tpu.memory_space<hbm>>) target_semaphore(%arg11 : memref<!tpu.dma_semaphore, #tpu.memory_space<semaphore_mem>>)
    %dma_wait3A_57 = arith.constant 1 : i32
    %dma_wait3A_58 = arith.constant 0 : i32
    %dma_wait3A_59 = tpu.memref_slice %arg4[%mul3A_2, %dma_wait3A_57, %dma_wait3A_58] : memref<16384x26x32xf32, #tpu.memory_space<hbm>> -> memref<512x1x32xf32, #tpu.memory_space<hbm>>
    %dma_wait3A_60 = tpu.memref_squeeze %dma_wait3A_59 : memref<512x1x32xf32, #tpu.memory_space<hbm>> -> memref<512x32xf32, #tpu.memory_space<hbm>>
    %dma_wait3A_61 = arith.constant 0 : i32
    %dma_wait3A_62 = tpu.memref_slice %arg4[%mul3A_2, %dma_wait3A_57, %dma_wait3A_61] : memref<16384x26x32xf32, #tpu.memory_space<hbm>> -> memref<512x1x32xf32, #tpu.memory_space<hbm>>
    %dma_wait3A_63 = tpu.memref_squeeze %dma_wait3A_62 : memref<512x1x32xf32, #tpu.memory_space<hbm>> -> memref<512x32xf32, #tpu.memory_space<hbm>>
    tpu.wait_dma2 semaphore(%arg11 : memref<!tpu.dma_semaphore, #tpu.memory_space<semaphore_mem>>) src(%arg7 : memref<512x32xf32, #tpu.memory_space<vmem>>) dst(%dma_wait3A_63 : memref<512x32xf32, #tpu.memory_space<hbm>>)
    %dma_start3A_64 = arith.constant 3 : i32
    %dma_start3A_65 = arith.constant 0 : i32
    %dma_start3A_66 = tpu.memref_slice %arg5[%dma_start3A_64, %dma_start3A_65] : memref<26x512xi32, #tpu.memory_space<vmem>> -> memref<1x512xi32, #tpu.memory_space<vmem>>
    %dma_start3A_67 = tpu.memref_squeeze %dma_start3A_66 : memref<1x512xi32, #tpu.memory_space<vmem>> -> memref<512xi32, #tpu.memory_space<vmem>>
    %dma_start3A_68 = arith.constant 0 : i32
    %dma_start3A_69 = arith.constant 0 : i32
    %dma_start3A_70 = tpu.memref_slice %arg3[%dma_start3A_68, %dma_start3A_69] : memref<1000000x32xf32, #tpu.memory_space<hbm>> -> memref<1000000x32xf32, #tpu.memory_space<hbm>>
    tpu.enqueue_indirect_dma source(%dma_start3A_70 : memref<1000000x32xf32, #tpu.memory_space<hbm>>) target(%arg7 : memref<512x32xf32, #tpu.memory_space<vmem>>) offsets(%dma_start3A_67 : memref<512xi32, #tpu.memory_space<vmem>>) semaphore(%arg9 : memref<!tpu.dma_semaphore, #tpu.memory_space<semaphore_mem>>)
    %dma_wait3A_71 = arith.constant 2 : i32
    %dma_wait3A_72 = arith.constant 0 : i32
    %dma_wait3A_73 = tpu.memref_slice %arg5[%dma_wait3A_71, %dma_wait3A_72] : memref<26x512xi32, #tpu.memory_space<vmem>> -> memref<1x512xi32, #tpu.memory_space<vmem>>
    %dma_wait3A_74 = tpu.memref_squeeze %dma_wait3A_73 : memref<1x512xi32, #tpu.memory_space<vmem>> -> memref<512xi32, #tpu.memory_space<vmem>>
    %dma_wait3A_75 = arith.constant 0 : i32
    %dma_wait3A_76 = arith.constant 0 : i32
    %dma_wait3A_77 = tpu.memref_slice %arg3[%dma_wait3A_75, %dma_wait3A_76] : memref<1000000x32xf32, #tpu.memory_space<hbm>> -> memref<1000000x32xf32, #tpu.memory_space<hbm>>
    tpu.wait_indirect_dma semaphore(%arg8 : memref<!tpu.dma_semaphore, #tpu.memory_space<semaphore_mem>>) src(%dma_wait3A_77 : memref<1000000x32xf32, #tpu.memory_space<hbm>>) dst(%arg6 : memref<512x32xf32, #tpu.memory_space<vmem>>)
    %dma_start3A_78 = arith.constant 2 : i32
    %dma_start3A_79 = arith.constant 0 : i32
    %dma_start3A_80 = tpu.memref_slice %arg4[%mul3A_2, %dma_start3A_78, %dma_start3A_79] : memref<16384x26x32xf32, #tpu.memory_space<hbm>> -> memref<512x1x32xf32, #tpu.memory_space<hbm>>
    %dma_start3A_81 = tpu.memref_squeeze %dma_start3A_80 : memref<512x1x32xf32, #tpu.memory_space<hbm>> -> memref<512x32xf32, #tpu.memory_space<hbm>>
    %dma_start3A_82 = arith.constant 0 : i32
    %dma_start3A_83 = tpu.memref_slice %arg4[%mul3A_2, %dma_start3A_78, %dma_start3A_82] : memref<16384x26x32xf32, #tpu.memory_space<hbm>> -> memref<512x1x32xf32, #tpu.memory_space<hbm>>
    %dma_start3A_84 = tpu.memref_squeeze %dma_start3A_83 : memref<512x1x32xf32, #tpu.memory_space<hbm>> -> memref<512x32xf32, #tpu.memory_space<hbm>>
    tpu.enqueue_dma source(%arg6 : memref<512x32xf32, #tpu.memory_space<vmem>>) target(%dma_start3A_84 : memref<512x32xf32, #tpu.memory_space<hbm>>) target_semaphore(%arg10 : memref<!tpu.dma_semaphore, #tpu.memory_space<semaphore_mem>>)
    %dma_wait3A_85 = arith.constant 2 : i32
    %dma_wait3A_86 = arith.constant 0 : i32
    %dma_wait3A_87 = tpu.memref_slice %arg4[%mul3A_2, %dma_wait3A_85, %dma_wait3A_86] : memref<16384x26x32xf32, #tpu.memory_space<hbm>> -> memref<512x1x32xf32, #tpu.memory_space<hbm>>
    %dma_wait3A_88 = tpu.memref_squeeze %dma_wait3A_87 : memref<512x1x32xf32, #tpu.memory_space<hbm>> -> memref<512x32xf32, #tpu.memory_space<hbm>>
    %dma_wait3A_89 = arith.constant 0 : i32
    %dma_wait3A_90 = tpu.memref_slice %arg4[%mul3A_2, %dma_wait3A_85, %dma_wait3A_89] : memref<16384x26x32xf32, #tpu.memory_space<hbm>> -> memref<512x1x32xf32, #tpu.memory_space<hbm>>
    %dma_wait3A_91 = tpu.memref_squeeze %dma_wait3A_90 : memref<512x1x32xf32, #tpu.memory_space<hbm>> -> memref<512x32xf32, #tpu.memory_space<hbm>>
    tpu.wait_dma2 semaphore(%arg10 : memref<!tpu.dma_semaphore, #tpu.memory_space<semaphore_mem>>) src(%arg6 : memref<512x32xf32, #tpu.memory_space<vmem>>) dst(%dma_wait3A_91 : memref<512x32xf32, #tpu.memory_space<hbm>>)
    %dma_start3A_92 = arith.constant 4 : i32
    %dma_start3A_93 = arith.constant 0 : i32
    %dma_start3A_94 = tpu.memref_slice %arg5[%dma_start3A_92, %dma_start3A_93] : memref<26x512xi32, #tpu.memory_space<vmem>> -> memref<1x512xi32, #tpu.memory_space<vmem>>
    %dma_start3A_95 = tpu.memref_squeeze %dma_start3A_94 : memref<1x512xi32, #tpu.memory_space<vmem>> -> memref<512xi32, #tpu.memory_space<vmem>>
    %dma_start3A_96 = arith.constant 0 : i32
    %dma_start3A_97 = arith.constant 0 : i32
    %dma_start3A_98 = tpu.memref_slice %arg3[%dma_start3A_96, %dma_start3A_97] : memref<1000000x32xf32, #tpu.memory_space<hbm>> -> memref<1000000x32xf32, #tpu.memory_space<hbm>>
    tpu.enqueue_indirect_dma source(%dma_start3A_98 : memref<1000000x32xf32, #tpu.memory_space<hbm>>) target(%arg6 : memref<512x32xf32, #tpu.memory_space<vmem>>) offsets(%dma_start3A_95 : memref<512xi32, #tpu.memory_space<vmem>>) semaphore(%arg8 : memref<!tpu.dma_semaphore, #tpu.memory_space<semaphore_mem>>)
    %dma_wait3A_99 = arith.constant 3 : i32
    %dma_wait3A_100 = arith.constant 0 : i32
    %dma_wait3A_101 = tpu.memref_slice %arg5[%dma_wait3A_99, %dma_wait3A_100] : memref<26x512xi32, #tpu.memory_space<vmem>> -> memref<1x512xi32, #tpu.memory_space<vmem>>
    %dma_wait3A_102 = tpu.memref_squeeze %dma_wait3A_101 : memref<1x512xi32, #tpu.memory_space<vmem>> -> memref<512xi32, #tpu.memory_space<vmem>>
    %dma_wait3A_103 = arith.constant 0 : i32
    %dma_wait3A_104 = arith.constant 0 : i32
    %dma_wait3A_105 = tpu.memref_slice %arg3[%dma_wait3A_103, %dma_wait3A_104] : memref<1000000x32xf32, #tpu.memory_space<hbm>> -> memref<1000000x32xf32, #tpu.memory_space<hbm>>
    tpu.wait_indirect_dma semaphore(%arg9 : memref<!tpu.dma_semaphore, #tpu.memory_space<semaphore_mem>>) src(%dma_wait3A_105 : memref<1000000x32xf32, #tpu.memory_space<hbm>>) dst(%arg7 : memref<512x32xf32, #tpu.memory_space<vmem>>)
    %dma_start3A_106 = arith.constant 3 : i32
    %dma_start3A_107 = arith.constant 0 : i32
    %dma_start3A_108 = tpu.memref_slice %arg4[%mul3A_2, %dma_start3A_106, %dma_start3A_107] : memref<16384x26x32xf32, #tpu.memory_space<hbm>> -> memref<512x1x32xf32, #tpu.memory_space<hbm>>
    %dma_start3A_109 = tpu.memref_squeeze %dma_start3A_108 : memref<512x1x32xf32, #tpu.memory_space<hbm>> -> memref<512x32xf32, #tpu.memory_space<hbm>>
    %dma_start3A_110 = arith.constant 0 : i32
    %dma_start3A_111 = tpu.memref_slice %arg4[%mul3A_2, %dma_start3A_106, %dma_start3A_110] : memref<16384x26x32xf32, #tpu.memory_space<hbm>> -> memref<512x1x32xf32, #tpu.memory_space<hbm>>
    %dma_start3A_112 = tpu.memref_squeeze %dma_start3A_111 : memref<512x1x32xf32, #tpu.memory_space<hbm>> -> memref<512x32xf32, #tpu.memory_space<hbm>>
    tpu.enqueue_dma source(%arg7 : memref<512x32xf32, #tpu.memory_space<vmem>>) target(%dma_start3A_112 : memref<512x32xf32, #tpu.memory_space<hbm>>) target_semaphore(%arg11 : memref<!tpu.dma_semaphore, #tpu.memory_space<semaphore_mem>>)
    %dma_wait3A_113 = arith.constant 3 : i32
    %dma_wait3A_114 = arith.constant 0 : i32
    %dma_wait3A_115 = tpu.memref_slice %arg4[%mul3A_2, %dma_wait3A_113, %dma_wait3A_114] : memref<16384x26x32xf32, #tpu.memory_space<hbm>> -> memref<512x1x32xf32, #tpu.memory_space<hbm>>
    %dma_wait3A_116 = tpu.memref_squeeze %dma_wait3A_115 : memref<512x1x32xf32, #tpu.memory_space<hbm>> -> memref<512x32xf32, #tpu.memory_space<hbm>>
    %dma_wait3A_117 = arith.constant 0 : i32
    %dma_wait3A_118 = tpu.memref_slice %arg4[%mul3A_2, %dma_wait3A_113, %dma_wait3A_117] : memref<16384x26x32xf32, #tpu.memory_space<hbm>> -> memref<512x1x32xf32, #tpu.memory_space<hbm>>
    %dma_wait3A_119 = tpu.memref_squeeze %dma_wait3A_118 : memref<512x1x32xf32, #tpu.memory_space<hbm>> -> memref<512x32xf32, #tpu.memory_space<hbm>>
    tpu.wait_dma2 semaphore(%arg11 : memref<!tpu.dma_semaphore, #tpu.memory_space<semaphore_mem>>) src(%arg7 : memref<512x32xf32, #tpu.memory_space<vmem>>) dst(%dma_wait3A_119 : memref<512x32xf32, #tpu.memory_space<hbm>>)
    %dma_start3A_120 = arith.constant 5 : i32
    %dma_start3A_121 = arith.constant 0 : i32
    %dma_start3A_122 = tpu.memref_slice %arg5[%dma_start3A_120, %dma_start3A_121] : memref<26x512xi32, #tpu.memory_space<vmem>> -> memref<1x512xi32, #tpu.memory_space<vmem>>
    %dma_start3A_123 = tpu.memref_squeeze %dma_start3A_122 : memref<1x512xi32, #tpu.memory_space<vmem>> -> memref<512xi32, #tpu.memory_space<vmem>>
    %dma_start3A_124 = arith.constant 0 : i32
    %dma_start3A_125 = arith.constant 0 : i32
    %dma_start3A_126 = tpu.memref_slice %arg3[%dma_start3A_124, %dma_start3A_125] : memref<1000000x32xf32, #tpu.memory_space<hbm>> -> memref<1000000x32xf32, #tpu.memory_space<hbm>>
    tpu.enqueue_indirect_dma source(%dma_start3A_126 : memref<1000000x32xf32, #tpu.memory_space<hbm>>) target(%arg7 : memref<512x32xf32, #tpu.memory_space<vmem>>) offsets(%dma_start3A_123 : memref<512xi32, #tpu.memory_space<vmem>>) semaphore(%arg9 : memref<!tpu.dma_semaphore, #tpu.memory_space<semaphore_mem>>)
    %dma_wait3A_127 = arith.constant 4 : i32
    %dma_wait3A_128 = arith.constant 0 : i32
    %dma_wait3A_129 = tpu.memref_slice %arg5[%dma_wait3A_127, %dma_wait3A_128] : memref<26x512xi32, #tpu.memory_space<vmem>> -> memref<1x512xi32, #tpu.memory_space<vmem>>
    %dma_wait3A_130 = tpu.memref_squeeze %dma_wait3A_129 : memref<1x512xi32, #tpu.memory_space<vmem>> -> memref<512xi32, #tpu.memory_space<vmem>>
    %dma_wait3A_131 = arith.constant 0 : i32
    %dma_wait3A_132 = arith.constant 0 : i32
    %dma_wait3A_133 = tpu.memref_slice %arg3[%dma_wait3A_131, %dma_wait3A_132] : memref<1000000x32xf32, #tpu.memory_space<hbm>> -> memref<1000000x32xf32, #tpu.memory_space<hbm>>
    tpu.wait_indirect_dma semaphore(%arg8 : memref<!tpu.dma_semaphore, #tpu.memory_space<semaphore_mem>>) src(%dma_wait3A_133 : memref<1000000x32xf32, #tpu.memory_space<hbm>>) dst(%arg6 : memref<512x32xf32, #tpu.memory_space<vmem>>)
    %dma_start3A_134 = arith.constant 4 : i32
    %dma_start3A_135 = arith.constant 0 : i32
    %dma_start3A_136 = tpu.memref_slice %arg4[%mul3A_2, %dma_start3A_134, %dma_start3A_135] : memref<16384x26x32xf32, #tpu.memory_space<hbm>> -> memref<512x1x32xf32, #tpu.memory_space<hbm>>
    %dma_start3A_137 = tpu.memref_squeeze %dma_start3A_136 : memref<512x1x32xf32, #tpu.memory_space<hbm>> -> memref<512x32xf32, #tpu.memory_space<hbm>>
    %dma_start3A_138 = arith.constant 0 : i32
    %dma_start3A_139 = tpu.memref_slice %arg4[%mul3A_2, %dma_start3A_134, %dma_start3A_138] : memref<16384x26x32xf32, #tpu.memory_space<hbm>> -> memref<512x1x32xf32, #tpu.memory_space<hbm>>
    %dma_start3A_140 = tpu.memref_squeeze %dma_start3A_139 : memref<512x1x32xf32, #tpu.memory_space<hbm>> -> memref<512x32xf32, #tpu.memory_space<hbm>>
    tpu.enqueue_dma source(%arg6 : memref<512x32xf32, #tpu.memory_space<vmem>>) target(%dma_start3A_140 : memref<512x32xf32, #tpu.memory_space<hbm>>) target_semaphore(%arg10 : memref<!tpu.dma_semaphore, #tpu.memory_space<semaphore_mem>>)
    %dma_wait3A_141 = arith.constant 4 : i32
    %dma_wait3A_142 = arith.constant 0 : i32
    %dma_wait3A_143 = tpu.memref_slice %arg4[%mul3A_2, %dma_wait3A_141, %dma_wait3A_142] : memref<16384x26x32xf32, #tpu.memory_space<hbm>> -> memref<512x1x32xf32, #tpu.memory_space<hbm>>
    %dma_wait3A_144 = tpu.memref_squeeze %dma_wait3A_143 : memref<512x1x32xf32, #tpu.memory_space<hbm>> -> memref<512x32xf32, #tpu.memory_space<hbm>>
    %dma_wait3A_145 = arith.constant 0 : i32
    %dma_wait3A_146 = tpu.memref_slice %arg4[%mul3A_2, %dma_wait3A_141, %dma_wait3A_145] : memref<16384x26x32xf32, #tpu.memory_space<hbm>> -> memref<512x1x32xf32, #tpu.memory_space<hbm>>
    %dma_wait3A_147 = tpu.memref_squeeze %dma_wait3A_146 : memref<512x1x32xf32, #tpu.memory_space<hbm>> -> memref<512x32xf32, #tpu.memory_space<hbm>>
    tpu.wait_dma2 semaphore(%arg10 : memref<!tpu.dma_semaphore, #tpu.memory_space<semaphore_mem>>) src(%arg6 : memref<512x32xf32, #tpu.memory_space<vmem>>) dst(%dma_wait3A_147 : memref<512x32xf32, #tpu.memory_space<hbm>>)
    %dma_start3A_148 = arith.constant 6 : i32
    %dma_start3A_149 = arith.constant 0 : i32
    %dma_start3A_150 = tpu.memref_slice %arg5[%dma_start3A_148, %dma_start3A_149] : memref<26x512xi32, #tpu.memory_space<vmem>> -> memref<1x512xi32, #tpu.memory_space<vmem>>
    %dma_start3A_151 = tpu.memref_squeeze %dma_start3A_150 : memref<1x512xi32, #tpu.memory_space<vmem>> -> memref<512xi32, #tpu.memory_space<vmem>>
    %dma_start3A_152 = arith.constant 0 : i32
    %dma_start3A_153 = arith.constant 0 : i32
    %dma_start3A_154 = tpu.memref_slice %arg3[%dma_start3A_152, %dma_start3A_153] : memref<1000000x32xf32, #tpu.memory_space<hbm>> -> memref<1000000x32xf32, #tpu.memory_space<hbm>>
    tpu.enqueue_indirect_dma source(%dma_start3A_154 : memref<1000000x32xf32, #tpu.memory_space<hbm>>) target(%arg6 : memref<512x32xf32, #tpu.memory_space<vmem>>) offsets(%dma_start3A_151 : memref<512xi32, #tpu.memory_space<vmem>>) semaphore(%arg8 : memref<!tpu.dma_semaphore, #tpu.memory_space<semaphore_mem>>)
    %dma_wait3A_155 = arith.constant 5 : i32
    %dma_wait3A_156 = arith.constant 0 : i32
    %dma_wait3A_157 = tpu.memref_slice %arg5[%dma_wait3A_155, %dma_wait3A_156] : memref<26x512xi32, #tpu.memory_space<vmem>> -> memref<1x512xi32, #tpu.memory_space<vmem>>
    %dma_wait3A_158 = tpu.memref_squeeze %dma_wait3A_157 : memref<1x512xi32, #tpu.memory_space<vmem>> -> memref<512xi32, #tpu.memory_space<vmem>>
    %dma_wait3A_159 = arith.constant 0 : i32
    %dma_wait3A_160 = arith.constant 0 : i32
    %dma_wait3A_161 = tpu.memref_slice %arg3[%dma_wait3A_159, %dma_wait3A_160] : memref<1000000x32xf32, #tpu.memory_space<hbm>> -> memref<1000000x32xf32, #tpu.memory_space<hbm>>
    tpu.wait_indirect_dma semaphore(%arg9 : memref<!tpu.dma_semaphore, #tpu.memory_space<semaphore_mem>>) src(%dma_wait3A_161 : memref<1000000x32xf32, #tpu.memory_space<hbm>>) dst(%arg7 : memref<512x32xf32, #tpu.memory_space<vmem>>)
    %dma_start3A_162 = arith.constant 5 : i32
    %dma_start3A_163 = arith.constant 0 : i32
    %dma_start3A_164 = tpu.memref_slice %arg4[%mul3A_2, %dma_start3A_162, %dma_start3A_163] : memref<16384x26x32xf32, #tpu.memory_space<hbm>> -> memref<512x1x32xf32, #tpu.memory_space<hbm>>
    %dma_start3A_165 = tpu.memref_squeeze %dma_start3A_164 : memref<512x1x32xf32, #tpu.memory_space<hbm>> -> memref<512x32xf32, #tpu.memory_space<hbm>>
    %dma_start3A_166 = arith.constant 0 : i32
    %dma_start3A_167 = tpu.memref_slice %arg4[%mul3A_2, %dma_start3A_162, %dma_start3A_166] : memref<16384x26x32xf32, #tpu.memory_space<hbm>> -> memref<512x1x32xf32, #tpu.memory_space<hbm>>
    %dma_start3A_168 = tpu.memref_squeeze %dma_start3A_167 : memref<512x1x32xf32, #tpu.memory_space<hbm>> -> memref<512x32xf32, #tpu.memory_space<hbm>>
    tpu.enqueue_dma source(%arg7 : memref<512x32xf32, #tpu.memory_space<vmem>>) target(%dma_start3A_168 : memref<512x32xf32, #tpu.memory_space<hbm>>) target_semaphore(%arg11 : memref<!tpu.dma_semaphore, #tpu.memory_space<semaphore_mem>>)
    %dma_wait3A_169 = arith.constant 5 : i32
    %dma_wait3A_170 = arith.constant 0 : i32
    %dma_wait3A_171 = tpu.memref_slice %arg4[%mul3A_2, %dma_wait3A_169, %dma_wait3A_170] : memref<16384x26x32xf32, #tpu.memory_space<hbm>> -> memref<512x1x32xf32, #tpu.memory_space<hbm>>
    %dma_wait3A_172 = tpu.memref_squeeze %dma_wait3A_171 : memref<512x1x32xf32, #tpu.memory_space<hbm>> -> memref<512x32xf32, #tpu.memory_space<hbm>>
    %dma_wait3A_173 = arith.constant 0 : i32
    %dma_wait3A_174 = tpu.memref_slice %arg4[%mul3A_2, %dma_wait3A_169, %dma_wait3A_173] : memref<16384x26x32xf32, #tpu.memory_space<hbm>> -> memref<512x1x32xf32, #tpu.memory_space<hbm>>
    %dma_wait3A_175 = tpu.memref_squeeze %dma_wait3A_174 : memref<512x1x32xf32, #tpu.memory_space<hbm>> -> memref<512x32xf32, #tpu.memory_space<hbm>>
    tpu.wait_dma2 semaphore(%arg11 : memref<!tpu.dma_semaphore, #tpu.memory_space<semaphore_mem>>) src(%arg7 : memref<512x32xf32, #tpu.memory_space<vmem>>) dst(%dma_wait3A_175 : memref<512x32xf32, #tpu.memory_space<hbm>>)
    %dma_start3A_176 = arith.constant 7 : i32
    %dma_start3A_177 = arith.constant 0 : i32
    %dma_start3A_178 = tpu.memref_slice %arg5[%dma_start3A_176, %dma_start3A_177] : memref<26x512xi32, #tpu.memory_space<vmem>> -> memref<1x512xi32, #tpu.memory_space<vmem>>
    %dma_start3A_179 = tpu.memref_squeeze %dma_start3A_178 : memref<1x512xi32, #tpu.memory_space<vmem>> -> memref<512xi32, #tpu.memory_space<vmem>>
    %dma_start3A_180 = arith.constant 0 : i32
    %dma_start3A_181 = arith.constant 0 : i32
    %dma_start3A_182 = tpu.memref_slice %arg3[%dma_start3A_180, %dma_start3A_181] : memref<1000000x32xf32, #tpu.memory_space<hbm>> -> memref<1000000x32xf32, #tpu.memory_space<hbm>>
    tpu.enqueue_indirect_dma source(%dma_start3A_182 : memref<1000000x32xf32, #tpu.memory_space<hbm>>) target(%arg7 : memref<512x32xf32, #tpu.memory_space<vmem>>) offsets(%dma_start3A_179 : memref<512xi32, #tpu.memory_space<vmem>>) semaphore(%arg9 : memref<!tpu.dma_semaphore, #tpu.memory_space<semaphore_mem>>)
    %dma_wait3A_183 = arith.constant 6 : i32
    %dma_wait3A_184 = arith.constant 0 : i32
    %dma_wait3A_185 = tpu.memref_slice %arg5[%dma_wait3A_183, %dma_wait3A_184] : memref<26x512xi32, #tpu.memory_space<vmem>> -> memref<1x512xi32, #tpu.memory_space<vmem>>
    %dma_wait3A_186 = tpu.memref_squeeze %dma_wait3A_185 : memref<1x512xi32, #tpu.memory_space<vmem>> -> memref<512xi32, #tpu.memory_space<vmem>>
    %dma_wait3A_187 = arith.constant 0 : i32
    %dma_wait3A_188 = arith.constant 0 : i32
    %dma_wait3A_189 = tpu.memref_slice %arg3[%dma_wait3A_187, %dma_wait3A_188] : memref<1000000x32xf32, #tpu.memory_space<hbm>> -> memref<1000000x32xf32, #tpu.memory_space<hbm>>
    tpu.wait_indirect_dma semaphore(%arg8 : memref<!tpu.dma_semaphore, #tpu.memory_space<semaphore_mem>>) src(%dma_wait3A_189 : memref<1000000x32xf32, #tpu.memory_space<hbm>>) dst(%arg6 : memref<512x32xf32, #tpu.memory_space<vmem>>)
    %dma_start3A_190 = arith.constant 6 : i32
    %dma_start3A_191 = arith.constant 0 : i32
    %dma_start3A_192 = tpu.memref_slice %arg4[%mul3A_2, %dma_start3A_190, %dma_start3A_191] : memref<16384x26x32xf32, #tpu.memory_space<hbm>> -> memref<512x1x32xf32, #tpu.memory_space<hbm>>
    %dma_start3A_193 = tpu.memref_squeeze %dma_start3A_192 : memref<512x1x32xf32, #tpu.memory_space<hbm>> -> memref<512x32xf32, #tpu.memory_space<hbm>>
    %dma_start3A_194 = arith.constant 0 : i32
    %dma_start3A_195 = tpu.memref_slice %arg4[%mul3A_2, %dma_start3A_190, %dma_start3A_194] : memref<16384x26x32xf32, #tpu.memory_space<hbm>> -> memref<512x1x32xf32, #tpu.memory_space<hbm>>
    %dma_start3A_196 = tpu.memref_squeeze %dma_start3A_195 : memref<512x1x32xf32, #tpu.memory_space<hbm>> -> memref<512x32xf32, #tpu.memory_space<hbm>>
    tpu.enqueue_dma source(%arg6 : memref<512x32xf32, #tpu.memory_space<vmem>>) target(%dma_start3A_196 : memref<512x32xf32, #tpu.memory_space<hbm>>) target_semaphore(%arg10 : memref<!tpu.dma_semaphore, #tpu.memory_space<semaphore_mem>>)
    %dma_wait3A_197 = arith.constant 6 : i32
    %dma_wait3A_198 = arith.constant 0 : i32
    %dma_wait3A_199 = tpu.memref_slice %arg4[%mul3A_2, %dma_wait3A_197, %dma_wait3A_198] : memref<16384x26x32xf32, #tpu.memory_space<hbm>> -> memref<512x1x32xf32, #tpu.memory_space<hbm>>
    %dma_wait3A_200 = tpu.memref_squeeze %dma_wait3A_199 : memref<512x1x32xf32, #tpu.memory_space<hbm>> -> memref<512x32xf32, #tpu.memory_space<hbm>>
    %dma_wait3A_201 = arith.constant 0 : i32
    %dma_wait3A_202 = tpu.memref_slice %arg4[%mul3A_2, %dma_wait3A_197, %dma_wait3A_201] : memref<16384x26x32xf32, #tpu.memory_space<hbm>> -> memref<512x1x32xf32, #tpu.memory_space<hbm>>
    %dma_wait3A_203 = tpu.memref_squeeze %dma_wait3A_202 : memref<512x1x32xf32, #tpu.memory_space<hbm>> -> memref<512x32xf32, #tpu.memory_space<hbm>>
    tpu.wait_dma2 semaphore(%arg10 : memref<!tpu.dma_semaphore, #tpu.memory_space<semaphore_mem>>) src(%arg6 : memref<512x32xf32, #tpu.memory_space<vmem>>) dst(%dma_wait3A_203 : memref<512x32xf32, #tpu.memory_space<hbm>>)
    %dma_start3A_204 = arith.constant 8 : i32
    %dma_start3A_205 = arith.constant 0 : i32
    %dma_start3A_206 = tpu.memref_slice %arg5[%dma_start3A_204, %dma_start3A_205] : memref<26x512xi32, #tpu.memory_space<vmem>> -> memref<1x512xi32, #tpu.memory_space<vmem>>
    %dma_start3A_207 = tpu.memref_squeeze %dma_start3A_206 : memref<1x512xi32, #tpu.memory_space<vmem>> -> memref<512xi32, #tpu.memory_space<vmem>>
    %dma_start3A_208 = arith.constant 0 : i32
    %dma_start3A_209 = arith.constant 0 : i32
    %dma_start3A_210 = tpu.memref_slice %arg3[%dma_start3A_208, %dma_start3A_209] : memref<1000000x32xf32, #tpu.memory_space<hbm>> -> memref<1000000x32xf32, #tpu.memory_space<hbm>>
    tpu.enqueue_indirect_dma source(%dma_start3A_210 : memref<1000000x32xf32, #tpu.memory_space<hbm>>) target(%arg6 : memref<512x32xf32, #tpu.memory_space<vmem>>) offsets(%dma_start3A_207 : memref<512xi32, #tpu.memory_space<vmem>>) semaphore(%arg8 : memref<!tpu.dma_semaphore, #tpu.memory_space<semaphore_mem>>)
    %dma_wait3A_211 = arith.constant 7 : i32
    %dma_wait3A_212 = arith.constant 0 : i32
    %dma_wait3A_213 = tpu.memref_slice %arg5[%dma_wait3A_211, %dma_wait3A_212] : memref<26x512xi32, #tpu.memory_space<vmem>> -> memref<1x512xi32, #tpu.memory_space<vmem>>
    %dma_wait3A_214 = tpu.memref_squeeze %dma_wait3A_213 : memref<1x512xi32, #tpu.memory_space<vmem>> -> memref<512xi32, #tpu.memory_space<vmem>>
    %dma_wait3A_215 = arith.constant 0 : i32
    %dma_wait3A_216 = arith.constant 0 : i32
    %dma_wait3A_217 = tpu.memref_slice %arg3[%dma_wait3A_215, %dma_wait3A_216] : memref<1000000x32xf32, #tpu.memory_space<hbm>> -> memref<1000000x32xf32, #tpu.memory_space<hbm>>
    tpu.wait_indirect_dma semaphore(%arg9 : memref<!tpu.dma_semaphore, #tpu.memory_space<semaphore_mem>>) src(%dma_wait3A_217 : memref<1000000x32xf32, #tpu.memory_space<hbm>>) dst(%arg7 : memref<512x32xf32, #tpu.memory_space<vmem>>)
    %dma_start3A_218 = arith.constant 7 : i32
    %dma_start3A_219 = arith.constant 0 : i32
    %dma_start3A_220 = tpu.memref_slice %arg4[%mul3A_2, %dma_start3A_218, %dma_start3A_219] : memref<16384x26x32xf32, #tpu.memory_space<hbm>> -> memref<512x1x32xf32, #tpu.memory_space<hbm>>
    %dma_start3A_221 = tpu.memref_squeeze %dma_start3A_220 : memref<512x1x32xf32, #tpu.memory_space<hbm>> -> memref<512x32xf32, #tpu.memory_space<hbm>>
    %dma_start3A_222 = arith.constant 0 : i32
    %dma_start3A_223 = tpu.memref_slice %arg4[%mul3A_2, %dma_start3A_218, %dma_start3A_222] : memref<16384x26x32xf32, #tpu.memory_space<hbm>> -> memref<512x1x32xf32, #tpu.memory_space<hbm>>
    %dma_start3A_224 = tpu.memref_squeeze %dma_start3A_223 : memref<512x1x32xf32, #tpu.memory_space<hbm>> -> memref<512x32xf32, #tpu.memory_space<hbm>>
    tpu.enqueue_dma source(%arg7 : memref<512x32xf32, #tpu.memory_space<vmem>>) target(%dma_start3A_224 : memref<512x32xf32, #tpu.memory_space<hbm>>) target_semaphore(%arg11 : memref<!tpu.dma_semaphore, #tpu.memory_space<semaphore_mem>>)
    %dma_wait3A_225 = arith.constant 7 : i32
    %dma_wait3A_226 = arith.constant 0 : i32
    %dma_wait3A_227 = tpu.memref_slice %arg4[%mul3A_2, %dma_wait3A_225, %dma_wait3A_226] : memref<16384x26x32xf32, #tpu.memory_space<hbm>> -> memref<512x1x32xf32, #tpu.memory_space<hbm>>
    %dma_wait3A_228 = tpu.memref_squeeze %dma_wait3A_227 : memref<512x1x32xf32, #tpu.memory_space<hbm>> -> memref<512x32xf32, #tpu.memory_space<hbm>>
    %dma_wait3A_229 = arith.constant 0 : i32
    %dma_wait3A_230 = tpu.memref_slice %arg4[%mul3A_2, %dma_wait3A_225, %dma_wait3A_229] : memref<16384x26x32xf32, #tpu.memory_space<hbm>> -> memref<512x1x32xf32, #tpu.memory_space<hbm>>
    %dma_wait3A_231 = tpu.memref_squeeze %dma_wait3A_230 : memref<512x1x32xf32, #tpu.memory_space<hbm>> -> memref<512x32xf32, #tpu.memory_space<hbm>>
    tpu.wait_dma2 semaphore(%arg11 : memref<!tpu.dma_semaphore, #tpu.memory_space<semaphore_mem>>) src(%arg7 : memref<512x32xf32, #tpu.memory_space<vmem>>) dst(%dma_wait3A_231 : memref<512x32xf32, #tpu.memory_space<hbm>>)
    %dma_start3A_232 = arith.constant 9 : i32
    %dma_start3A_233 = arith.constant 0 : i32
    %dma_start3A_234 = tpu.memref_slice %arg5[%dma_start3A_232, %dma_start3A_233] : memref<26x512xi32, #tpu.memory_space<vmem>> -> memref<1x512xi32, #tpu.memory_space<vmem>>
    %dma_start3A_235 = tpu.memref_squeeze %dma_start3A_234 : memref<1x512xi32, #tpu.memory_space<vmem>> -> memref<512xi32, #tpu.memory_space<vmem>>
    %dma_start3A_236 = arith.constant 0 : i32
    %dma_start3A_237 = arith.constant 0 : i32
    %dma_start3A_238 = tpu.memref_slice %arg3[%dma_start3A_236, %dma_start3A_237] : memref<1000000x32xf32, #tpu.memory_space<hbm>> -> memref<1000000x32xf32, #tpu.memory_space<hbm>>
    tpu.enqueue_indirect_dma source(%dma_start3A_238 : memref<1000000x32xf32, #tpu.memory_space<hbm>>) target(%arg7 : memref<512x32xf32, #tpu.memory_space<vmem>>) offsets(%dma_start3A_235 : memref<512xi32, #tpu.memory_space<vmem>>) semaphore(%arg9 : memref<!tpu.dma_semaphore, #tpu.memory_space<semaphore_mem>>)
    %dma_wait3A_239 = arith.constant 8 : i32
    %dma_wait3A_240 = arith.constant 0 : i32
    %dma_wait3A_241 = tpu.memref_slice %arg5[%dma_wait3A_239, %dma_wait3A_240] : memref<26x512xi32, #tpu.memory_space<vmem>> -> memref<1x512xi32, #tpu.memory_space<vmem>>
    %dma_wait3A_242 = tpu.memref_squeeze %dma_wait3A_241 : memref<1x512xi32, #tpu.memory_space<vmem>> -> memref<512xi32, #tpu.memory_space<vmem>>
    %dma_wait3A_243 = arith.constant 0 : i32
    %dma_wait3A_244 = arith.constant 0 : i32
    %dma_wait3A_245 = tpu.memref_slice %arg3[%dma_wait3A_243, %dma_wait3A_244] : memref<1000000x32xf32, #tpu.memory_space<hbm>> -> memref<1000000x32xf32, #tpu.memory_space<hbm>>
    tpu.wait_indirect_dma semaphore(%arg8 : memref<!tpu.dma_semaphore, #tpu.memory_space<semaphore_mem>>) src(%dma_wait3A_245 : memref<1000000x32xf32, #tpu.memory_space<hbm>>) dst(%arg6 : memref<512x32xf32, #tpu.memory_space<vmem>>)
    %dma_start3A_246 = arith.constant 8 : i32
    %dma_start3A_247 = arith.constant 0 : i32
    %dma_start3A_248 = tpu.memref_slice %arg4[%mul3A_2, %dma_start3A_246, %dma_start3A_247] : memref<16384x26x32xf32, #tpu.memory_space<hbm>> -> memref<512x1x32xf32, #tpu.memory_space<hbm>>
    %dma_start3A_249 = tpu.memref_squeeze %dma_start3A_248 : memref<512x1x32xf32, #tpu.memory_space<hbm>> -> memref<512x32xf32, #tpu.memory_space<hbm>>
    %dma_start3A_250 = arith.constant 0 : i32
    %dma_start3A_251 = tpu.memref_slice %arg4[%mul3A_2, %dma_start3A_246, %dma_start3A_250] : memref<16384x26x32xf32, #tpu.memory_space<hbm>> -> memref<512x1x32xf32, #tpu.memory_space<hbm>>
    %dma_start3A_252 = tpu.memref_squeeze %dma_start3A_251 : memref<512x1x32xf32, #tpu.memory_space<hbm>> -> memref<512x32xf32, #tpu.memory_space<hbm>>
    tpu.enqueue_dma source(%arg6 : memref<512x32xf32, #tpu.memory_space<vmem>>) target(%dma_start3A_252 : memref<512x32xf32, #tpu.memory_space<hbm>>) target_semaphore(%arg10 : memref<!tpu.dma_semaphore, #tpu.memory_space<semaphore_mem>>)
    %dma_wait3A_253 = arith.constant 8 : i32
    %dma_wait3A_254 = arith.constant 0 : i32
    %dma_wait3A_255 = tpu.memref_slice %arg4[%mul3A_2, %dma_wait3A_253, %dma_wait3A_254] : memref<16384x26x32xf32, #tpu.memory_space<hbm>> -> memref<512x1x32xf32, #tpu.memory_space<hbm>>
    %dma_wait3A_256 = tpu.memref_squeeze %dma_wait3A_255 : memref<512x1x32xf32, #tpu.memory_space<hbm>> -> memref<512x32xf32, #tpu.memory_space<hbm>>
    %dma_wait3A_257 = arith.constant 0 : i32
    %dma_wait3A_258 = tpu.memref_slice %arg4[%mul3A_2, %dma_wait3A_253, %dma_wait3A_257] : memref<16384x26x32xf32, #tpu.memory_space<hbm>> -> memref<512x1x32xf32, #tpu.memory_space<hbm>>
    %dma_wait3A_259 = tpu.memref_squeeze %dma_wait3A_258 : memref<512x1x32xf32, #tpu.memory_space<hbm>> -> memref<512x32xf32, #tpu.memory_space<hbm>>
    tpu.wait_dma2 semaphore(%arg10 : memref<!tpu.dma_semaphore, #tpu.memory_space<semaphore_mem>>) src(%arg6 : memref<512x32xf32, #tpu.memory_space<vmem>>) dst(%dma_wait3A_259 : memref<512x32xf32, #tpu.memory_space<hbm>>)
    %dma_start3A_260 = arith.constant 10 : i32
    %dma_start3A_261 = arith.constant 0 : i32
    %dma_start3A_262 = tpu.memref_slice %arg5[%dma_start3A_260, %dma_start3A_261] : memref<26x512xi32, #tpu.memory_space<vmem>> -> memref<1x512xi32, #tpu.memory_space<vmem>>
    %dma_start3A_263 = tpu.memref_squeeze %dma_start3A_262 : memref<1x512xi32, #tpu.memory_space<vmem>> -> memref<512xi32, #tpu.memory_space<vmem>>
    %dma_start3A_264 = arith.constant 0 : i32
    %dma_start3A_265 = arith.constant 0 : i32
    %dma_start3A_266 = tpu.memref_slice %arg3[%dma_start3A_264, %dma_start3A_265] : memref<1000000x32xf32, #tpu.memory_space<hbm>> -> memref<1000000x32xf32, #tpu.memory_space<hbm>>
    tpu.enqueue_indirect_dma source(%dma_start3A_266 : memref<1000000x32xf32, #tpu.memory_space<hbm>>) target(%arg6 : memref<512x32xf32, #tpu.memory_space<vmem>>) offsets(%dma_start3A_263 : memref<512xi32, #tpu.memory_space<vmem>>) semaphore(%arg8 : memref<!tpu.dma_semaphore, #tpu.memory_space<semaphore_mem>>)
    %dma_wait3A_267 = arith.constant 9 : i32
    %dma_wait3A_268 = arith.constant 0 : i32
    %dma_wait3A_269 = tpu.memref_slice %arg5[%dma_wait3A_267, %dma_wait3A_268] : memref<26x512xi32, #tpu.memory_space<vmem>> -> memref<1x512xi32, #tpu.memory_space<vmem>>
    %dma_wait3A_270 = tpu.memref_squeeze %dma_wait3A_269 : memref<1x512xi32, #tpu.memory_space<vmem>> -> memref<512xi32, #tpu.memory_space<vmem>>
    %dma_wait3A_271 = arith.constant 0 : i32
    %dma_wait3A_272 = arith.constant 0 : i32
    %dma_wait3A_273 = tpu.memref_slice %arg3[%dma_wait3A_271, %dma_wait3A_272] : memref<1000000x32xf32, #tpu.memory_space<hbm>> -> memref<1000000x32xf32, #tpu.memory_space<hbm>>
    tpu.wait_indirect_dma semaphore(%arg9 : memref<!tpu.dma_semaphore, #tpu.memory_space<semaphore_mem>>) src(%dma_wait3A_273 : memref<1000000x32xf32, #tpu.memory_space<hbm>>) dst(%arg7 : memref<512x32xf32, #tpu.memory_space<vmem>>)
    %dma_start3A_274 = arith.constant 9 : i32
    %dma_start3A_275 = arith.constant 0 : i32
    %dma_start3A_276 = tpu.memref_slice %arg4[%mul3A_2, %dma_start3A_274, %dma_start3A_275] : memref<16384x26x32xf32, #tpu.memory_space<hbm>> -> memref<512x1x32xf32, #tpu.memory_space<hbm>>
    %dma_start3A_277 = tpu.memref_squeeze %dma_start3A_276 : memref<512x1x32xf32, #tpu.memory_space<hbm>> -> memref<512x32xf32, #tpu.memory_space<hbm>>
    %dma_start3A_278 = arith.constant 0 : i32
    %dma_start3A_279 = tpu.memref_slice %arg4[%mul3A_2, %dma_start3A_274, %dma_start3A_278] : memref<16384x26x32xf32, #tpu.memory_space<hbm>> -> memref<512x1x32xf32, #tpu.memory_space<hbm>>
    %dma_start3A_280 = tpu.memref_squeeze %dma_start3A_279 : memref<512x1x32xf32, #tpu.memory_space<hbm>> -> memref<512x32xf32, #tpu.memory_space<hbm>>
    tpu.enqueue_dma source(%arg7 : memref<512x32xf32, #tpu.memory_space<vmem>>) target(%dma_start3A_280 : memref<512x32xf32, #tpu.memory_space<hbm>>) target_semaphore(%arg11 : memref<!tpu.dma_semaphore, #tpu.memory_space<semaphore_mem>>)
    %dma_wait3A_281 = arith.constant 9 : i32
    %dma_wait3A_282 = arith.constant 0 : i32
    %dma_wait3A_283 = tpu.memref_slice %arg4[%mul3A_2, %dma_wait3A_281, %dma_wait3A_282] : memref<16384x26x32xf32, #tpu.memory_space<hbm>> -> memref<512x1x32xf32, #tpu.memory_space<hbm>>
    %dma_wait3A_284 = tpu.memref_squeeze %dma_wait3A_283 : memref<512x1x32xf32, #tpu.memory_space<hbm>> -> memref<512x32xf32, #tpu.memory_space<hbm>>
    %dma_wait3A_285 = arith.constant 0 : i32
    %dma_wait3A_286 = tpu.memref_slice %arg4[%mul3A_2, %dma_wait3A_281, %dma_wait3A_285] : memref<16384x26x32xf32, #tpu.memory_space<hbm>> -> memref<512x1x32xf32, #tpu.memory_space<hbm>>
    %dma_wait3A_287 = tpu.memref_squeeze %dma_wait3A_286 : memref<512x1x32xf32, #tpu.memory_space<hbm>> -> memref<512x32xf32, #tpu.memory_space<hbm>>
    tpu.wait_dma2 semaphore(%arg11 : memref<!tpu.dma_semaphore, #tpu.memory_space<semaphore_mem>>) src(%arg7 : memref<512x32xf32, #tpu.memory_space<vmem>>) dst(%dma_wait3A_287 : memref<512x32xf32, #tpu.memory_space<hbm>>)
    %dma_start3A_288 = arith.constant 11 : i32
    %dma_start3A_289 = arith.constant 0 : i32
    %dma_start3A_290 = tpu.memref_slice %arg5[%dma_start3A_288, %dma_start3A_289] : memref<26x512xi32, #tpu.memory_space<vmem>> -> memref<1x512xi32, #tpu.memory_space<vmem>>
    %dma_start3A_291 = tpu.memref_squeeze %dma_start3A_290 : memref<1x512xi32, #tpu.memory_space<vmem>> -> memref<512xi32, #tpu.memory_space<vmem>>
    %dma_start3A_292 = arith.constant 0 : i32
    %dma_start3A_293 = arith.constant 0 : i32
    %dma_start3A_294 = tpu.memref_slice %arg3[%dma_start3A_292, %dma_start3A_293] : memref<1000000x32xf32, #tpu.memory_space<hbm>> -> memref<1000000x32xf32, #tpu.memory_space<hbm>>
    tpu.enqueue_indirect_dma source(%dma_start3A_294 : memref<1000000x32xf32, #tpu.memory_space<hbm>>) target(%arg7 : memref<512x32xf32, #tpu.memory_space<vmem>>) offsets(%dma_start3A_291 : memref<512xi32, #tpu.memory_space<vmem>>) semaphore(%arg9 : memref<!tpu.dma_semaphore, #tpu.memory_space<semaphore_mem>>)
    %dma_wait3A_295 = arith.constant 10 : i32
    %dma_wait3A_296 = arith.constant 0 : i32
    %dma_wait3A_297 = tpu.memref_slice %arg5[%dma_wait3A_295, %dma_wait3A_296] : memref<26x512xi32, #tpu.memory_space<vmem>> -> memref<1x512xi32, #tpu.memory_space<vmem>>
    %dma_wait3A_298 = tpu.memref_squeeze %dma_wait3A_297 : memref<1x512xi32, #tpu.memory_space<vmem>> -> memref<512xi32, #tpu.memory_space<vmem>>
    %dma_wait3A_299 = arith.constant 0 : i32
    %dma_wait3A_300 = arith.constant 0 : i32
    %dma_wait3A_301 = tpu.memref_slice %arg3[%dma_wait3A_299, %dma_wait3A_300] : memref<1000000x32xf32, #tpu.memory_space<hbm>> -> memref<1000000x32xf32, #tpu.memory_space<hbm>>
    tpu.wait_indirect_dma semaphore(%arg8 : memref<!tpu.dma_semaphore, #tpu.memory_space<semaphore_mem>>) src(%dma_wait3A_301 : memref<1000000x32xf32, #tpu.memory_space<hbm>>) dst(%arg6 : memref<512x32xf32, #tpu.memory_space<vmem>>)
    %dma_start3A_302 = arith.constant 10 : i32
    %dma_start3A_303 = arith.constant 0 : i32
    %dma_start3A_304 = tpu.memref_slice %arg4[%mul3A_2, %dma_start3A_302, %dma_start3A_303] : memref<16384x26x32xf32, #tpu.memory_space<hbm>> -> memref<512x1x32xf32, #tpu.memory_space<hbm>>
    %dma_start3A_305 = tpu.memref_squeeze %dma_start3A_304 : memref<512x1x32xf32, #tpu.memory_space<hbm>> -> memref<512x32xf32, #tpu.memory_space<hbm>>
    %dma_start3A_306 = arith.constant 0 : i32
    %dma_start3A_307 = tpu.memref_slice %arg4[%mul3A_2, %dma_start3A_302, %dma_start3A_306] : memref<16384x26x32xf32, #tpu.memory_space<hbm>> -> memref<512x1x32xf32, #tpu.memory_space<hbm>>
    %dma_start3A_308 = tpu.memref_squeeze %dma_start3A_307 : memref<512x1x32xf32, #tpu.memory_space<hbm>> -> memref<512x32xf32, #tpu.memory_space<hbm>>
    tpu.enqueue_dma source(%arg6 : memref<512x32xf32, #tpu.memory_space<vmem>>) target(%dma_start3A_308 : memref<512x32xf32, #tpu.memory_space<hbm>>) target_semaphore(%arg10 : memref<!tpu.dma_semaphore, #tpu.memory_space<semaphore_mem>>)
    %dma_wait3A_309 = arith.constant 10 : i32
    %dma_wait3A_310 = arith.constant 0 : i32
    %dma_wait3A_311 = tpu.memref_slice %arg4[%mul3A_2, %dma_wait3A_309, %dma_wait3A_310] : memref<16384x26x32xf32, #tpu.memory_space<hbm>> -> memref<512x1x32xf32, #tpu.memory_space<hbm>>
    %dma_wait3A_312 = tpu.memref_squeeze %dma_wait3A_311 : memref<512x1x32xf32, #tpu.memory_space<hbm>> -> memref<512x32xf32, #tpu.memory_space<hbm>>
    %dma_wait3A_313 = arith.constant 0 : i32
    %dma_wait3A_314 = tpu.memref_slice %arg4[%mul3A_2, %dma_wait3A_309, %dma_wait3A_313] : memref<16384x26x32xf32, #tpu.memory_space<hbm>> -> memref<512x1x32xf32, #tpu.memory_space<hbm>>
    %dma_wait3A_315 = tpu.memref_squeeze %dma_wait3A_314 : memref<512x1x32xf32, #tpu.memory_space<hbm>> -> memref<512x32xf32, #tpu.memory_space<hbm>>
    tpu.wait_dma2 semaphore(%arg10 : memref<!tpu.dma_semaphore, #tpu.memory_space<semaphore_mem>>) src(%arg6 : memref<512x32xf32, #tpu.memory_space<vmem>>) dst(%dma_wait3A_315 : memref<512x32xf32, #tpu.memory_space<hbm>>)
    %dma_start3A_316 = arith.constant 12 : i32
    %dma_start3A_317 = arith.constant 0 : i32
    %dma_start3A_318 = tpu.memref_slice %arg5[%dma_start3A_316, %dma_start3A_317] : memref<26x512xi32, #tpu.memory_space<vmem>> -> memref<1x512xi32, #tpu.memory_space<vmem>>
    %dma_start3A_319 = tpu.memref_squeeze %dma_start3A_318 : memref<1x512xi32, #tpu.memory_space<vmem>> -> memref<512xi32, #tpu.memory_space<vmem>>
    %dma_start3A_320 = arith.constant 0 : i32
    %dma_start3A_321 = arith.constant 0 : i32
    %dma_start3A_322 = tpu.memref_slice %arg3[%dma_start3A_320, %dma_start3A_321] : memref<1000000x32xf32, #tpu.memory_space<hbm>> -> memref<1000000x32xf32, #tpu.memory_space<hbm>>
    tpu.enqueue_indirect_dma source(%dma_start3A_322 : memref<1000000x32xf32, #tpu.memory_space<hbm>>) target(%arg6 : memref<512x32xf32, #tpu.memory_space<vmem>>) offsets(%dma_start3A_319 : memref<512xi32, #tpu.memory_space<vmem>>) semaphore(%arg8 : memref<!tpu.dma_semaphore, #tpu.memory_space<semaphore_mem>>)
    %dma_wait3A_323 = arith.constant 11 : i32
    %dma_wait3A_324 = arith.constant 0 : i32
    %dma_wait3A_325 = tpu.memref_slice %arg5[%dma_wait3A_323, %dma_wait3A_324] : memref<26x512xi32, #tpu.memory_space<vmem>> -> memref<1x512xi32, #tpu.memory_space<vmem>>
    %dma_wait3A_326 = tpu.memref_squeeze %dma_wait3A_325 : memref<1x512xi32, #tpu.memory_space<vmem>> -> memref<512xi32, #tpu.memory_space<vmem>>
    %dma_wait3A_327 = arith.constant 0 : i32
    %dma_wait3A_328 = arith.constant 0 : i32
    %dma_wait3A_329 = tpu.memref_slice %arg3[%dma_wait3A_327, %dma_wait3A_328] : memref<1000000x32xf32, #tpu.memory_space<hbm>> -> memref<1000000x32xf32, #tpu.memory_space<hbm>>
    tpu.wait_indirect_dma semaphore(%arg9 : memref<!tpu.dma_semaphore, #tpu.memory_space<semaphore_mem>>) src(%dma_wait3A_329 : memref<1000000x32xf32, #tpu.memory_space<hbm>>) dst(%arg7 : memref<512x32xf32, #tpu.memory_space<vmem>>)
    %dma_start3A_330 = arith.constant 11 : i32
    %dma_start3A_331 = arith.constant 0 : i32
    %dma_start3A_332 = tpu.memref_slice %arg4[%mul3A_2, %dma_start3A_330, %dma_start3A_331] : memref<16384x26x32xf32, #tpu.memory_space<hbm>> -> memref<512x1x32xf32, #tpu.memory_space<hbm>>
    %dma_start3A_333 = tpu.memref_squeeze %dma_start3A_332 : memref<512x1x32xf32, #tpu.memory_space<hbm>> -> memref<512x32xf32, #tpu.memory_space<hbm>>
    %dma_start3A_334 = arith.constant 0 : i32
    %dma_start3A_335 = tpu.memref_slice %arg4[%mul3A_2, %dma_start3A_330, %dma_start3A_334] : memref<16384x26x32xf32, #tpu.memory_space<hbm>> -> memref<512x1x32xf32, #tpu.memory_space<hbm>>
    %dma_start3A_336 = tpu.memref_squeeze %dma_start3A_335 : memref<512x1x32xf32, #tpu.memory_space<hbm>> -> memref<512x32xf32, #tpu.memory_space<hbm>>
    tpu.enqueue_dma source(%arg7 : memref<512x32xf32, #tpu.memory_space<vmem>>) target(%dma_start3A_336 : memref<512x32xf32, #tpu.memory_space<hbm>>) target_semaphore(%arg11 : memref<!tpu.dma_semaphore, #tpu.memory_space<semaphore_mem>>)
    %dma_wait3A_337 = arith.constant 11 : i32
    %dma_wait3A_338 = arith.constant 0 : i32
    %dma_wait3A_339 = tpu.memref_slice %arg4[%mul3A_2, %dma_wait3A_337, %dma_wait3A_338] : memref<16384x26x32xf32, #tpu.memory_space<hbm>> -> memref<512x1x32xf32, #tpu.memory_space<hbm>>
    %dma_wait3A_340 = tpu.memref_squeeze %dma_wait3A_339 : memref<512x1x32xf32, #tpu.memory_space<hbm>> -> memref<512x32xf32, #tpu.memory_space<hbm>>
    %dma_wait3A_341 = arith.constant 0 : i32
    %dma_wait3A_342 = tpu.memref_slice %arg4[%mul3A_2, %dma_wait3A_337, %dma_wait3A_341] : memref<16384x26x32xf32, #tpu.memory_space<hbm>> -> memref<512x1x32xf32, #tpu.memory_space<hbm>>
    %dma_wait3A_343 = tpu.memref_squeeze %dma_wait3A_342 : memref<512x1x32xf32, #tpu.memory_space<hbm>> -> memref<512x32xf32, #tpu.memory_space<hbm>>
    tpu.wait_dma2 semaphore(%arg11 : memref<!tpu.dma_semaphore, #tpu.memory_space<semaphore_mem>>) src(%arg7 : memref<512x32xf32, #tpu.memory_space<vmem>>) dst(%dma_wait3A_343 : memref<512x32xf32, #tpu.memory_space<hbm>>)
    %dma_start3A_344 = arith.constant 13 : i32
    %dma_start3A_345 = arith.constant 0 : i32
    %dma_start3A_346 = tpu.memref_slice %arg5[%dma_start3A_344, %dma_start3A_345] : memref<26x512xi32, #tpu.memory_space<vmem>> -> memref<1x512xi32, #tpu.memory_space<vmem>>
    %dma_start3A_347 = tpu.memref_squeeze %dma_start3A_346 : memref<1x512xi32, #tpu.memory_space<vmem>> -> memref<512xi32, #tpu.memory_space<vmem>>
    %dma_start3A_348 = arith.constant 0 : i32
    %dma_start3A_349 = arith.constant 0 : i32
    %dma_start3A_350 = tpu.memref_slice %arg3[%dma_start3A_348, %dma_start3A_349] : memref<1000000x32xf32, #tpu.memory_space<hbm>> -> memref<1000000x32xf32, #tpu.memory_space<hbm>>
    tpu.enqueue_indirect_dma source(%dma_start3A_350 : memref<1000000x32xf32, #tpu.memory_space<hbm>>) target(%arg7 : memref<512x32xf32, #tpu.memory_space<vmem>>) offsets(%dma_start3A_347 : memref<512xi32, #tpu.memory_space<vmem>>) semaphore(%arg9 : memref<!tpu.dma_semaphore, #tpu.memory_space<semaphore_mem>>)
    %dma_wait3A_351 = arith.constant 12 : i32
    %dma_wait3A_352 = arith.constant 0 : i32
    %dma_wait3A_353 = tpu.memref_slice %arg5[%dma_wait3A_351, %dma_wait3A_352] : memref<26x512xi32, #tpu.memory_space<vmem>> -> memref<1x512xi32, #tpu.memory_space<vmem>>
    %dma_wait3A_354 = tpu.memref_squeeze %dma_wait3A_353 : memref<1x512xi32, #tpu.memory_space<vmem>> -> memref<512xi32, #tpu.memory_space<vmem>>
    %dma_wait3A_355 = arith.constant 0 : i32
    %dma_wait3A_356 = arith.constant 0 : i32
    %dma_wait3A_357 = tpu.memref_slice %arg3[%dma_wait3A_355, %dma_wait3A_356] : memref<1000000x32xf32, #tpu.memory_space<hbm>> -> memref<1000000x32xf32, #tpu.memory_space<hbm>>
    tpu.wait_indirect_dma semaphore(%arg8 : memref<!tpu.dma_semaphore, #tpu.memory_space<semaphore_mem>>) src(%dma_wait3A_357 : memref<1000000x32xf32, #tpu.memory_space<hbm>>) dst(%arg6 : memref<512x32xf32, #tpu.memory_space<vmem>>)
    %dma_start3A_358 = arith.constant 12 : i32
    %dma_start3A_359 = arith.constant 0 : i32
    %dma_start3A_360 = tpu.memref_slice %arg4[%mul3A_2, %dma_start3A_358, %dma_start3A_359] : memref<16384x26x32xf32, #tpu.memory_space<hbm>> -> memref<512x1x32xf32, #tpu.memory_space<hbm>>
    %dma_start3A_361 = tpu.memref_squeeze %dma_start3A_360 : memref<512x1x32xf32, #tpu.memory_space<hbm>> -> memref<512x32xf32, #tpu.memory_space<hbm>>
    %dma_start3A_362 = arith.constant 0 : i32
    %dma_start3A_363 = tpu.memref_slice %arg4[%mul3A_2, %dma_start3A_358, %dma_start3A_362] : memref<16384x26x32xf32, #tpu.memory_space<hbm>> -> memref<512x1x32xf32, #tpu.memory_space<hbm>>
    %dma_start3A_364 = tpu.memref_squeeze %dma_start3A_363 : memref<512x1x32xf32, #tpu.memory_space<hbm>> -> memref<512x32xf32, #tpu.memory_space<hbm>>
    tpu.enqueue_dma source(%arg6 : memref<512x32xf32, #tpu.memory_space<vmem>>) target(%dma_start3A_364 : memref<512x32xf32, #tpu.memory_space<hbm>>) target_semaphore(%arg10 : memref<!tpu.dma_semaphore, #tpu.memory_space<semaphore_mem>>)
    %dma_wait3A_365 = arith.constant 12 : i32
    %dma_wait3A_366 = arith.constant 0 : i32
    %dma_wait3A_367 = tpu.memref_slice %arg4[%mul3A_2, %dma_wait3A_365, %dma_wait3A_366] : memref<16384x26x32xf32, #tpu.memory_space<hbm>> -> memref<512x1x32xf32, #tpu.memory_space<hbm>>
    %dma_wait3A_368 = tpu.memref_squeeze %dma_wait3A_367 : memref<512x1x32xf32, #tpu.memory_space<hbm>> -> memref<512x32xf32, #tpu.memory_space<hbm>>
    %dma_wait3A_369 = arith.constant 0 : i32
    %dma_wait3A_370 = tpu.memref_slice %arg4[%mul3A_2, %dma_wait3A_365, %dma_wait3A_369] : memref<16384x26x32xf32, #tpu.memory_space<hbm>> -> memref<512x1x32xf32, #tpu.memory_space<hbm>>
    %dma_wait3A_371 = tpu.memref_squeeze %dma_wait3A_370 : memref<512x1x32xf32, #tpu.memory_space<hbm>> -> memref<512x32xf32, #tpu.memory_space<hbm>>
    tpu.wait_dma2 semaphore(%arg10 : memref<!tpu.dma_semaphore, #tpu.memory_space<semaphore_mem>>) src(%arg6 : memref<512x32xf32, #tpu.memory_space<vmem>>) dst(%dma_wait3A_371 : memref<512x32xf32, #tpu.memory_space<hbm>>)
    %dma_start3A_372 = arith.constant 14 : i32
    %dma_start3A_373 = arith.constant 0 : i32
    %dma_start3A_374 = tpu.memref_slice %arg5[%dma_start3A_372, %dma_start3A_373] : memref<26x512xi32, #tpu.memory_space<vmem>> -> memref<1x512xi32, #tpu.memory_space<vmem>>
    %dma_start3A_375 = tpu.memref_squeeze %dma_start3A_374 : memref<1x512xi32, #tpu.memory_space<vmem>> -> memref<512xi32, #tpu.memory_space<vmem>>
    %dma_start3A_376 = arith.constant 0 : i32
    %dma_start3A_377 = arith.constant 0 : i32
    %dma_start3A_378 = tpu.memref_slice %arg3[%dma_start3A_376, %dma_start3A_377] : memref<1000000x32xf32, #tpu.memory_space<hbm>> -> memref<1000000x32xf32, #tpu.memory_space<hbm>>
    tpu.enqueue_indirect_dma source(%dma_start3A_378 : memref<1000000x32xf32, #tpu.memory_space<hbm>>) target(%arg6 : memref<512x32xf32, #tpu.memory_space<vmem>>) offsets(%dma_start3A_375 : memref<512xi32, #tpu.memory_space<vmem>>) semaphore(%arg8 : memref<!tpu.dma_semaphore, #tpu.memory_space<semaphore_mem>>)
    %dma_wait3A_379 = arith.constant 13 : i32
    %dma_wait3A_380 = arith.constant 0 : i32
    %dma_wait3A_381 = tpu.memref_slice %arg5[%dma_wait3A_379, %dma_wait3A_380] : memref<26x512xi32, #tpu.memory_space<vmem>> -> memref<1x512xi32, #tpu.memory_space<vmem>>
    %dma_wait3A_382 = tpu.memref_squeeze %dma_wait3A_381 : memref<1x512xi32, #tpu.memory_space<vmem>> -> memref<512xi32, #tpu.memory_space<vmem>>
    %dma_wait3A_383 = arith.constant 0 : i32
    %dma_wait3A_384 = arith.constant 0 : i32
    %dma_wait3A_385 = tpu.memref_slice %arg3[%dma_wait3A_383, %dma_wait3A_384] : memref<1000000x32xf32, #tpu.memory_space<hbm>> -> memref<1000000x32xf32, #tpu.memory_space<hbm>>
    tpu.wait_indirect_dma semaphore(%arg9 : memref<!tpu.dma_semaphore, #tpu.memory_space<semaphore_mem>>) src(%dma_wait3A_385 : memref<1000000x32xf32, #tpu.memory_space<hbm>>) dst(%arg7 : memref<512x32xf32, #tpu.memory_space<vmem>>)
    %dma_start3A_386 = arith.constant 13 : i32
    %dma_start3A_387 = arith.constant 0 : i32
    %dma_start3A_388 = tpu.memref_slice %arg4[%mul3A_2, %dma_start3A_386, %dma_start3A_387] : memref<16384x26x32xf32, #tpu.memory_space<hbm>> -> memref<512x1x32xf32, #tpu.memory_space<hbm>>
    %dma_start3A_389 = tpu.memref_squeeze %dma_start3A_388 : memref<512x1x32xf32, #tpu.memory_space<hbm>> -> memref<512x32xf32, #tpu.memory_space<hbm>>
    %dma_start3A_390 = arith.constant 0 : i32
    %dma_start3A_391 = tpu.memref_slice %arg4[%mul3A_2, %dma_start3A_386, %dma_start3A_390] : memref<16384x26x32xf32, #tpu.memory_space<hbm>> -> memref<512x1x32xf32, #tpu.memory_space<hbm>>
    %dma_start3A_392 = tpu.memref_squeeze %dma_start3A_391 : memref<512x1x32xf32, #tpu.memory_space<hbm>> -> memref<512x32xf32, #tpu.memory_space<hbm>>
    tpu.enqueue_dma source(%arg7 : memref<512x32xf32, #tpu.memory_space<vmem>>) target(%dma_start3A_392 : memref<512x32xf32, #tpu.memory_space<hbm>>) target_semaphore(%arg11 : memref<!tpu.dma_semaphore, #tpu.memory_space<semaphore_mem>>)
    %dma_wait3A_393 = arith.constant 13 : i32
    %dma_wait3A_394 = arith.constant 0 : i32
    %dma_wait3A_395 = tpu.memref_slice %arg4[%mul3A_2, %dma_wait3A_393, %dma_wait3A_394] : memref<16384x26x32xf32, #tpu.memory_space<hbm>> -> memref<512x1x32xf32, #tpu.memory_space<hbm>>
    %dma_wait3A_396 = tpu.memref_squeeze %dma_wait3A_395 : memref<512x1x32xf32, #tpu.memory_space<hbm>> -> memref<512x32xf32, #tpu.memory_space<hbm>>
    %dma_wait3A_397 = arith.constant 0 : i32
    %dma_wait3A_398 = tpu.memref_slice %arg4[%mul3A_2, %dma_wait3A_393, %dma_wait3A_397] : memref<16384x26x32xf32, #tpu.memory_space<hbm>> -> memref<512x1x32xf32, #tpu.memory_space<hbm>>
    %dma_wait3A_399 = tpu.memref_squeeze %dma_wait3A_398 : memref<512x1x32xf32, #tpu.memory_space<hbm>> -> memref<512x32xf32, #tpu.memory_space<hbm>>
    tpu.wait_dma2 semaphore(%arg11 : memref<!tpu.dma_semaphore, #tpu.memory_space<semaphore_mem>>) src(%arg7 : memref<512x32xf32, #tpu.memory_space<vmem>>) dst(%dma_wait3A_399 : memref<512x32xf32, #tpu.memory_space<hbm>>)
    %dma_start3A_400 = arith.constant 15 : i32
    %dma_start3A_401 = arith.constant 0 : i32
    %dma_start3A_402 = tpu.memref_slice %arg5[%dma_start3A_400, %dma_start3A_401] : memref<26x512xi32, #tpu.memory_space<vmem>> -> memref<1x512xi32, #tpu.memory_space<vmem>>
    %dma_start3A_403 = tpu.memref_squeeze %dma_start3A_402 : memref<1x512xi32, #tpu.memory_space<vmem>> -> memref<512xi32, #tpu.memory_space<vmem>>
    %dma_start3A_404 = arith.constant 0 : i32
    %dma_start3A_405 = arith.constant 0 : i32
    %dma_start3A_406 = tpu.memref_slice %arg3[%dma_start3A_404, %dma_start3A_405] : memref<1000000x32xf32, #tpu.memory_space<hbm>> -> memref<1000000x32xf32, #tpu.memory_space<hbm>>
    tpu.enqueue_indirect_dma source(%dma_start3A_406 : memref<1000000x32xf32, #tpu.memory_space<hbm>>) target(%arg7 : memref<512x32xf32, #tpu.memory_space<vmem>>) offsets(%dma_start3A_403 : memref<512xi32, #tpu.memory_space<vmem>>) semaphore(%arg9 : memref<!tpu.dma_semaphore, #tpu.memory_space<semaphore_mem>>)
    %dma_wait3A_407 = arith.constant 14 : i32
    %dma_wait3A_408 = arith.constant 0 : i32
    %dma_wait3A_409 = tpu.memref_slice %arg5[%dma_wait3A_407, %dma_wait3A_408] : memref<26x512xi32, #tpu.memory_space<vmem>> -> memref<1x512xi32, #tpu.memory_space<vmem>>
    %dma_wait3A_410 = tpu.memref_squeeze %dma_wait3A_409 : memref<1x512xi32, #tpu.memory_space<vmem>> -> memref<512xi32, #tpu.memory_space<vmem>>
    %dma_wait3A_411 = arith.constant 0 : i32
    %dma_wait3A_412 = arith.constant 0 : i32
    %dma_wait3A_413 = tpu.memref_slice %arg3[%dma_wait3A_411, %dma_wait3A_412] : memref<1000000x32xf32, #tpu.memory_space<hbm>> -> memref<1000000x32xf32, #tpu.memory_space<hbm>>
    tpu.wait_indirect_dma semaphore(%arg8 : memref<!tpu.dma_semaphore, #tpu.memory_space<semaphore_mem>>) src(%dma_wait3A_413 : memref<1000000x32xf32, #tpu.memory_space<hbm>>) dst(%arg6 : memref<512x32xf32, #tpu.memory_space<vmem>>)
    %dma_start3A_414 = arith.constant 14 : i32
    %dma_start3A_415 = arith.constant 0 : i32
    %dma_start3A_416 = tpu.memref_slice %arg4[%mul3A_2, %dma_start3A_414, %dma_start3A_415] : memref<16384x26x32xf32, #tpu.memory_space<hbm>> -> memref<512x1x32xf32, #tpu.memory_space<hbm>>
    %dma_start3A_417 = tpu.memref_squeeze %dma_start3A_416 : memref<512x1x32xf32, #tpu.memory_space<hbm>> -> memref<512x32xf32, #tpu.memory_space<hbm>>
    %dma_start3A_418 = arith.constant 0 : i32
    %dma_start3A_419 = tpu.memref_slice %arg4[%mul3A_2, %dma_start3A_414, %dma_start3A_418] : memref<16384x26x32xf32, #tpu.memory_space<hbm>> -> memref<512x1x32xf32, #tpu.memory_space<hbm>>
    %dma_start3A_420 = tpu.memref_squeeze %dma_start3A_419 : memref<512x1x32xf32, #tpu.memory_space<hbm>> -> memref<512x32xf32, #tpu.memory_space<hbm>>
    tpu.enqueue_dma source(%arg6 : memref<512x32xf32, #tpu.memory_space<vmem>>) target(%dma_start3A_420 : memref<512x32xf32, #tpu.memory_space<hbm>>) target_semaphore(%arg10 : memref<!tpu.dma_semaphore, #tpu.memory_space<semaphore_mem>>)
    %dma_wait3A_421 = arith.constant 14 : i32
    %dma_wait3A_422 = arith.constant 0 : i32
    %dma_wait3A_423 = tpu.memref_slice %arg4[%mul3A_2, %dma_wait3A_421, %dma_wait3A_422] : memref<16384x26x32xf32, #tpu.memory_space<hbm>> -> memref<512x1x32xf32, #tpu.memory_space<hbm>>
    %dma_wait3A_424 = tpu.memref_squeeze %dma_wait3A_423 : memref<512x1x32xf32, #tpu.memory_space<hbm>> -> memref<512x32xf32, #tpu.memory_space<hbm>>
    %dma_wait3A_425 = arith.constant 0 : i32
    %dma_wait3A_426 = tpu.memref_slice %arg4[%mul3A_2, %dma_wait3A_421, %dma_wait3A_425] : memref<16384x26x32xf32, #tpu.memory_space<hbm>> -> memref<512x1x32xf32, #tpu.memory_space<hbm>>
    %dma_wait3A_427 = tpu.memref_squeeze %dma_wait3A_426 : memref<512x1x32xf32, #tpu.memory_space<hbm>> -> memref<512x32xf32, #tpu.memory_space<hbm>>
    tpu.wait_dma2 semaphore(%arg10 : memref<!tpu.dma_semaphore, #tpu.memory_space<semaphore_mem>>) src(%arg6 : memref<512x32xf32, #tpu.memory_space<vmem>>) dst(%dma_wait3A_427 : memref<512x32xf32, #tpu.memory_space<hbm>>)
    %dma_start3A_428 = arith.constant 16 : i32
    %dma_start3A_429 = arith.constant 0 : i32
    %dma_start3A_430 = tpu.memref_slice %arg5[%dma_start3A_428, %dma_start3A_429] : memref<26x512xi32, #tpu.memory_space<vmem>> -> memref<1x512xi32, #tpu.memory_space<vmem>>
    %dma_start3A_431 = tpu.memref_squeeze %dma_start3A_430 : memref<1x512xi32, #tpu.memory_space<vmem>> -> memref<512xi32, #tpu.memory_space<vmem>>
    %dma_start3A_432 = arith.constant 0 : i32
    %dma_start3A_433 = arith.constant 0 : i32
    %dma_start3A_434 = tpu.memref_slice %arg3[%dma_start3A_432, %dma_start3A_433] : memref<1000000x32xf32, #tpu.memory_space<hbm>> -> memref<1000000x32xf32, #tpu.memory_space<hbm>>
    tpu.enqueue_indirect_dma source(%dma_start3A_434 : memref<1000000x32xf32, #tpu.memory_space<hbm>>) target(%arg6 : memref<512x32xf32, #tpu.memory_space<vmem>>) offsets(%dma_start3A_431 : memref<512xi32, #tpu.memory_space<vmem>>) semaphore(%arg8 : memref<!tpu.dma_semaphore, #tpu.memory_space<semaphore_mem>>)
    %dma_wait3A_435 = arith.constant 15 : i32
    %dma_wait3A_436 = arith.constant 0 : i32
    %dma_wait3A_437 = tpu.memref_slice %arg5[%dma_wait3A_435, %dma_wait3A_436] : memref<26x512xi32, #tpu.memory_space<vmem>> -> memref<1x512xi32, #tpu.memory_space<vmem>>
    %dma_wait3A_438 = tpu.memref_squeeze %dma_wait3A_437 : memref<1x512xi32, #tpu.memory_space<vmem>> -> memref<512xi32, #tpu.memory_space<vmem>>
    %dma_wait3A_439 = arith.constant 0 : i32
    %dma_wait3A_440 = arith.constant 0 : i32
    %dma_wait3A_441 = tpu.memref_slice %arg3[%dma_wait3A_439, %dma_wait3A_440] : memref<1000000x32xf32, #tpu.memory_space<hbm>> -> memref<1000000x32xf32, #tpu.memory_space<hbm>>
    tpu.wait_indirect_dma semaphore(%arg9 : memref<!tpu.dma_semaphore, #tpu.memory_space<semaphore_mem>>) src(%dma_wait3A_441 : memref<1000000x32xf32, #tpu.memory_space<hbm>>) dst(%arg7 : memref<512x32xf32, #tpu.memory_space<vmem>>)
    %dma_start3A_442 = arith.constant 15 : i32
    %dma_start3A_443 = arith.constant 0 : i32
    %dma_start3A_444 = tpu.memref_slice %arg4[%mul3A_2, %dma_start3A_442, %dma_start3A_443] : memref<16384x26x32xf32, #tpu.memory_space<hbm>> -> memref<512x1x32xf32, #tpu.memory_space<hbm>>
    %dma_start3A_445 = tpu.memref_squeeze %dma_start3A_444 : memref<512x1x32xf32, #tpu.memory_space<hbm>> -> memref<512x32xf32, #tpu.memory_space<hbm>>
    %dma_start3A_446 = arith.constant 0 : i32
    %dma_start3A_447 = tpu.memref_slice %arg4[%mul3A_2, %dma_start3A_442, %dma_start3A_446] : memref<16384x26x32xf32, #tpu.memory_space<hbm>> -> memref<512x1x32xf32, #tpu.memory_space<hbm>>
    %dma_start3A_448 = tpu.memref_squeeze %dma_start3A_447 : memref<512x1x32xf32, #tpu.memory_space<hbm>> -> memref<512x32xf32, #tpu.memory_space<hbm>>
    tpu.enqueue_dma source(%arg7 : memref<512x32xf32, #tpu.memory_space<vmem>>) target(%dma_start3A_448 : memref<512x32xf32, #tpu.memory_space<hbm>>) target_semaphore(%arg11 : memref<!tpu.dma_semaphore, #tpu.memory_space<semaphore_mem>>)
    %dma_wait3A_449 = arith.constant 15 : i32
    %dma_wait3A_450 = arith.constant 0 : i32
    %dma_wait3A_451 = tpu.memref_slice %arg4[%mul3A_2, %dma_wait3A_449, %dma_wait3A_450] : memref<16384x26x32xf32, #tpu.memory_space<hbm>> -> memref<512x1x32xf32, #tpu.memory_space<hbm>>
    %dma_wait3A_452 = tpu.memref_squeeze %dma_wait3A_451 : memref<512x1x32xf32, #tpu.memory_space<hbm>> -> memref<512x32xf32, #tpu.memory_space<hbm>>
    %dma_wait3A_453 = arith.constant 0 : i32
    %dma_wait3A_454 = tpu.memref_slice %arg4[%mul3A_2, %dma_wait3A_449, %dma_wait3A_453] : memref<16384x26x32xf32, #tpu.memory_space<hbm>> -> memref<512x1x32xf32, #tpu.memory_space<hbm>>
    %dma_wait3A_455 = tpu.memref_squeeze %dma_wait3A_454 : memref<512x1x32xf32, #tpu.memory_space<hbm>> -> memref<512x32xf32, #tpu.memory_space<hbm>>
    tpu.wait_dma2 semaphore(%arg11 : memref<!tpu.dma_semaphore, #tpu.memory_space<semaphore_mem>>) src(%arg7 : memref<512x32xf32, #tpu.memory_space<vmem>>) dst(%dma_wait3A_455 : memref<512x32xf32, #tpu.memory_space<hbm>>)
    %dma_start3A_456 = arith.constant 17 : i32
    %dma_start3A_457 = arith.constant 0 : i32
    %dma_start3A_458 = tpu.memref_slice %arg5[%dma_start3A_456, %dma_start3A_457] : memref<26x512xi32, #tpu.memory_space<vmem>> -> memref<1x512xi32, #tpu.memory_space<vmem>>
    %dma_start3A_459 = tpu.memref_squeeze %dma_start3A_458 : memref<1x512xi32, #tpu.memory_space<vmem>> -> memref<512xi32, #tpu.memory_space<vmem>>
    %dma_start3A_460 = arith.constant 0 : i32
    %dma_start3A_461 = arith.constant 0 : i32
    %dma_start3A_462 = tpu.memref_slice %arg3[%dma_start3A_460, %dma_start3A_461] : memref<1000000x32xf32, #tpu.memory_space<hbm>> -> memref<1000000x32xf32, #tpu.memory_space<hbm>>
    tpu.enqueue_indirect_dma source(%dma_start3A_462 : memref<1000000x32xf32, #tpu.memory_space<hbm>>) target(%arg7 : memref<512x32xf32, #tpu.memory_space<vmem>>) offsets(%dma_start3A_459 : memref<512xi32, #tpu.memory_space<vmem>>) semaphore(%arg9 : memref<!tpu.dma_semaphore, #tpu.memory_space<semaphore_mem>>)
    %dma_wait3A_463 = arith.constant 16 : i32
    %dma_wait3A_464 = arith.constant 0 : i32
    %dma_wait3A_465 = tpu.memref_slice %arg5[%dma_wait3A_463, %dma_wait3A_464] : memref<26x512xi32, #tpu.memory_space<vmem>> -> memref<1x512xi32, #tpu.memory_space<vmem>>
    %dma_wait3A_466 = tpu.memref_squeeze %dma_wait3A_465 : memref<1x512xi32, #tpu.memory_space<vmem>> -> memref<512xi32, #tpu.memory_space<vmem>>
    %dma_wait3A_467 = arith.constant 0 : i32
    %dma_wait3A_468 = arith.constant 0 : i32
    %dma_wait3A_469 = tpu.memref_slice %arg3[%dma_wait3A_467, %dma_wait3A_468] : memref<1000000x32xf32, #tpu.memory_space<hbm>> -> memref<1000000x32xf32, #tpu.memory_space<hbm>>
    tpu.wait_indirect_dma semaphore(%arg8 : memref<!tpu.dma_semaphore, #tpu.memory_space<semaphore_mem>>) src(%dma_wait3A_469 : memref<1000000x32xf32, #tpu.memory_space<hbm>>) dst(%arg6 : memref<512x32xf32, #tpu.memory_space<vmem>>)
    %dma_start3A_470 = arith.constant 16 : i32
    %dma_start3A_471 = arith.constant 0 : i32
    %dma_start3A_472 = tpu.memref_slice %arg4[%mul3A_2, %dma_start3A_470, %dma_start3A_471] : memref<16384x26x32xf32, #tpu.memory_space<hbm>> -> memref<512x1x32xf32, #tpu.memory_space<hbm>>
    %dma_start3A_473 = tpu.memref_squeeze %dma_start3A_472 : memref<512x1x32xf32, #tpu.memory_space<hbm>> -> memref<512x32xf32, #tpu.memory_space<hbm>>
    %dma_start3A_474 = arith.constant 0 : i32
    %dma_start3A_475 = tpu.memref_slice %arg4[%mul3A_2, %dma_start3A_470, %dma_start3A_474] : memref<16384x26x32xf32, #tpu.memory_space<hbm>> -> memref<512x1x32xf32, #tpu.memory_space<hbm>>
    %dma_start3A_476 = tpu.memref_squeeze %dma_start3A_475 : memref<512x1x32xf32, #tpu.memory_space<hbm>> -> memref<512x32xf32, #tpu.memory_space<hbm>>
    tpu.enqueue_dma source(%arg6 : memref<512x32xf32, #tpu.memory_space<vmem>>) target(%dma_start3A_476 : memref<512x32xf32, #tpu.memory_space<hbm>>) target_semaphore(%arg10 : memref<!tpu.dma_semaphore, #tpu.memory_space<semaphore_mem>>)
    %dma_wait3A_477 = arith.constant 16 : i32
    %dma_wait3A_478 = arith.constant 0 : i32
    %dma_wait3A_479 = tpu.memref_slice %arg4[%mul3A_2, %dma_wait3A_477, %dma_wait3A_478] : memref<16384x26x32xf32, #tpu.memory_space<hbm>> -> memref<512x1x32xf32, #tpu.memory_space<hbm>>
    %dma_wait3A_480 = tpu.memref_squeeze %dma_wait3A_479 : memref<512x1x32xf32, #tpu.memory_space<hbm>> -> memref<512x32xf32, #tpu.memory_space<hbm>>
    %dma_wait3A_481 = arith.constant 0 : i32
    %dma_wait3A_482 = tpu.memref_slice %arg4[%mul3A_2, %dma_wait3A_477, %dma_wait3A_481] : memref<16384x26x32xf32, #tpu.memory_space<hbm>> -> memref<512x1x32xf32, #tpu.memory_space<hbm>>
    %dma_wait3A_483 = tpu.memref_squeeze %dma_wait3A_482 : memref<512x1x32xf32, #tpu.memory_space<hbm>> -> memref<512x32xf32, #tpu.memory_space<hbm>>
    tpu.wait_dma2 semaphore(%arg10 : memref<!tpu.dma_semaphore, #tpu.memory_space<semaphore_mem>>) src(%arg6 : memref<512x32xf32, #tpu.memory_space<vmem>>) dst(%dma_wait3A_483 : memref<512x32xf32, #tpu.memory_space<hbm>>)
    %dma_start3A_484 = arith.constant 18 : i32
    %dma_start3A_485 = arith.constant 0 : i32
    %dma_start3A_486 = tpu.memref_slice %arg5[%dma_start3A_484, %dma_start3A_485] : memref<26x512xi32, #tpu.memory_space<vmem>> -> memref<1x512xi32, #tpu.memory_space<vmem>>
    %dma_start3A_487 = tpu.memref_squeeze %dma_start3A_486 : memref<1x512xi32, #tpu.memory_space<vmem>> -> memref<512xi32, #tpu.memory_space<vmem>>
    %dma_start3A_488 = arith.constant 0 : i32
    %dma_start3A_489 = arith.constant 0 : i32
    %dma_start3A_490 = tpu.memref_slice %arg3[%dma_start3A_488, %dma_start3A_489] : memref<1000000x32xf32, #tpu.memory_space<hbm>> -> memref<1000000x32xf32, #tpu.memory_space<hbm>>
    tpu.enqueue_indirect_dma source(%dma_start3A_490 : memref<1000000x32xf32, #tpu.memory_space<hbm>>) target(%arg6 : memref<512x32xf32, #tpu.memory_space<vmem>>) offsets(%dma_start3A_487 : memref<512xi32, #tpu.memory_space<vmem>>) semaphore(%arg8 : memref<!tpu.dma_semaphore, #tpu.memory_space<semaphore_mem>>)
    %dma_wait3A_491 = arith.constant 17 : i32
    %dma_wait3A_492 = arith.constant 0 : i32
    %dma_wait3A_493 = tpu.memref_slice %arg5[%dma_wait3A_491, %dma_wait3A_492] : memref<26x512xi32, #tpu.memory_space<vmem>> -> memref<1x512xi32, #tpu.memory_space<vmem>>
    %dma_wait3A_494 = tpu.memref_squeeze %dma_wait3A_493 : memref<1x512xi32, #tpu.memory_space<vmem>> -> memref<512xi32, #tpu.memory_space<vmem>>
    %dma_wait3A_495 = arith.constant 0 : i32
    %dma_wait3A_496 = arith.constant 0 : i32
    %dma_wait3A_497 = tpu.memref_slice %arg3[%dma_wait3A_495, %dma_wait3A_496] : memref<1000000x32xf32, #tpu.memory_space<hbm>> -> memref<1000000x32xf32, #tpu.memory_space<hbm>>
    tpu.wait_indirect_dma semaphore(%arg9 : memref<!tpu.dma_semaphore, #tpu.memory_space<semaphore_mem>>) src(%dma_wait3A_497 : memref<1000000x32xf32, #tpu.memory_space<hbm>>) dst(%arg7 : memref<512x32xf32, #tpu.memory_space<vmem>>)
    %dma_start3A_498 = arith.constant 17 : i32
    %dma_start3A_499 = arith.constant 0 : i32
    %dma_start3A_500 = tpu.memref_slice %arg4[%mul3A_2, %dma_start3A_498, %dma_start3A_499] : memref<16384x26x32xf32, #tpu.memory_space<hbm>> -> memref<512x1x32xf32, #tpu.memory_space<hbm>>
    %dma_start3A_501 = tpu.memref_squeeze %dma_start3A_500 : memref<512x1x32xf32, #tpu.memory_space<hbm>> -> memref<512x32xf32, #tpu.memory_space<hbm>>
    %dma_start3A_502 = arith.constant 0 : i32
    %dma_start3A_503 = tpu.memref_slice %arg4[%mul3A_2, %dma_start3A_498, %dma_start3A_502] : memref<16384x26x32xf32, #tpu.memory_space<hbm>> -> memref<512x1x32xf32, #tpu.memory_space<hbm>>
    %dma_start3A_504 = tpu.memref_squeeze %dma_start3A_503 : memref<512x1x32xf32, #tpu.memory_space<hbm>> -> memref<512x32xf32, #tpu.memory_space<hbm>>
    tpu.enqueue_dma source(%arg7 : memref<512x32xf32, #tpu.memory_space<vmem>>) target(%dma_start3A_504 : memref<512x32xf32, #tpu.memory_space<hbm>>) target_semaphore(%arg11 : memref<!tpu.dma_semaphore, #tpu.memory_space<semaphore_mem>>)
    %dma_wait3A_505 = arith.constant 17 : i32
    %dma_wait3A_506 = arith.constant 0 : i32
    %dma_wait3A_507 = tpu.memref_slice %arg4[%mul3A_2, %dma_wait3A_505, %dma_wait3A_506] : memref<16384x26x32xf32, #tpu.memory_space<hbm>> -> memref<512x1x32xf32, #tpu.memory_space<hbm>>
    %dma_wait3A_508 = tpu.memref_squeeze %dma_wait3A_507 : memref<512x1x32xf32, #tpu.memory_space<hbm>> -> memref<512x32xf32, #tpu.memory_space<hbm>>
    %dma_wait3A_509 = arith.constant 0 : i32
    %dma_wait3A_510 = tpu.memref_slice %arg4[%mul3A_2, %dma_wait3A_505, %dma_wait3A_509] : memref<16384x26x32xf32, #tpu.memory_space<hbm>> -> memref<512x1x32xf32, #tpu.memory_space<hbm>>
    %dma_wait3A_511 = tpu.memref_squeeze %dma_wait3A_510 : memref<512x1x32xf32, #tpu.memory_space<hbm>> -> memref<512x32xf32, #tpu.memory_space<hbm>>
    tpu.wait_dma2 semaphore(%arg11 : memref<!tpu.dma_semaphore, #tpu.memory_space<semaphore_mem>>) src(%arg7 : memref<512x32xf32, #tpu.memory_space<vmem>>) dst(%dma_wait3A_511 : memref<512x32xf32, #tpu.memory_space<hbm>>)
    %dma_start3A_512 = arith.constant 19 : i32
    %dma_start3A_513 = arith.constant 0 : i32
    %dma_start3A_514 = tpu.memref_slice %arg5[%dma_start3A_512, %dma_start3A_513] : memref<26x512xi32, #tpu.memory_space<vmem>> -> memref<1x512xi32, #tpu.memory_space<vmem>>
    %dma_start3A_515 = tpu.memref_squeeze %dma_start3A_514 : memref<1x512xi32, #tpu.memory_space<vmem>> -> memref<512xi32, #tpu.memory_space<vmem>>
    %dma_start3A_516 = arith.constant 0 : i32
    %dma_start3A_517 = arith.constant 0 : i32
    %dma_start3A_518 = tpu.memref_slice %arg3[%dma_start3A_516, %dma_start3A_517] : memref<1000000x32xf32, #tpu.memory_space<hbm>> -> memref<1000000x32xf32, #tpu.memory_space<hbm>>
    tpu.enqueue_indirect_dma source(%dma_start3A_518 : memref<1000000x32xf32, #tpu.memory_space<hbm>>) target(%arg7 : memref<512x32xf32, #tpu.memory_space<vmem>>) offsets(%dma_start3A_515 : memref<512xi32, #tpu.memory_space<vmem>>) semaphore(%arg9 : memref<!tpu.dma_semaphore, #tpu.memory_space<semaphore_mem>>)
    %dma_wait3A_519 = arith.constant 18 : i32
    %dma_wait3A_520 = arith.constant 0 : i32
    %dma_wait3A_521 = tpu.memref_slice %arg5[%dma_wait3A_519, %dma_wait3A_520] : memref<26x512xi32, #tpu.memory_space<vmem>> -> memref<1x512xi32, #tpu.memory_space<vmem>>
    %dma_wait3A_522 = tpu.memref_squeeze %dma_wait3A_521 : memref<1x512xi32, #tpu.memory_space<vmem>> -> memref<512xi32, #tpu.memory_space<vmem>>
    %dma_wait3A_523 = arith.constant 0 : i32
    %dma_wait3A_524 = arith.constant 0 : i32
    %dma_wait3A_525 = tpu.memref_slice %arg3[%dma_wait3A_523, %dma_wait3A_524] : memref<1000000x32xf32, #tpu.memory_space<hbm>> -> memref<1000000x32xf32, #tpu.memory_space<hbm>>
    tpu.wait_indirect_dma semaphore(%arg8 : memref<!tpu.dma_semaphore, #tpu.memory_space<semaphore_mem>>) src(%dma_wait3A_525 : memref<1000000x32xf32, #tpu.memory_space<hbm>>) dst(%arg6 : memref<512x32xf32, #tpu.memory_space<vmem>>)
    %dma_start3A_526 = arith.constant 18 : i32
    %dma_start3A_527 = arith.constant 0 : i32
    %dma_start3A_528 = tpu.memref_slice %arg4[%mul3A_2, %dma_start3A_526, %dma_start3A_527] : memref<16384x26x32xf32, #tpu.memory_space<hbm>> -> memref<512x1x32xf32, #tpu.memory_space<hbm>>
    %dma_start3A_529 = tpu.memref_squeeze %dma_start3A_528 : memref<512x1x32xf32, #tpu.memory_space<hbm>> -> memref<512x32xf32, #tpu.memory_space<hbm>>
    %dma_start3A_530 = arith.constant 0 : i32
    %dma_start3A_531 = tpu.memref_slice %arg4[%mul3A_2, %dma_start3A_526, %dma_start3A_530] : memref<16384x26x32xf32, #tpu.memory_space<hbm>> -> memref<512x1x32xf32, #tpu.memory_space<hbm>>
    %dma_start3A_532 = tpu.memref_squeeze %dma_start3A_531 : memref<512x1x32xf32, #tpu.memory_space<hbm>> -> memref<512x32xf32, #tpu.memory_space<hbm>>
    tpu.enqueue_dma source(%arg6 : memref<512x32xf32, #tpu.memory_space<vmem>>) target(%dma_start3A_532 : memref<512x32xf32, #tpu.memory_space<hbm>>) target_semaphore(%arg10 : memref<!tpu.dma_semaphore, #tpu.memory_space<semaphore_mem>>)
    %dma_wait3A_533 = arith.constant 18 : i32
    %dma_wait3A_534 = arith.constant 0 : i32
    %dma_wait3A_535 = tpu.memref_slice %arg4[%mul3A_2, %dma_wait3A_533, %dma_wait3A_534] : memref<16384x26x32xf32, #tpu.memory_space<hbm>> -> memref<512x1x32xf32, #tpu.memory_space<hbm>>
    %dma_wait3A_536 = tpu.memref_squeeze %dma_wait3A_535 : memref<512x1x32xf32, #tpu.memory_space<hbm>> -> memref<512x32xf32, #tpu.memory_space<hbm>>
    %dma_wait3A_537 = arith.constant 0 : i32
    %dma_wait3A_538 = tpu.memref_slice %arg4[%mul3A_2, %dma_wait3A_533, %dma_wait3A_537] : memref<16384x26x32xf32, #tpu.memory_space<hbm>> -> memref<512x1x32xf32, #tpu.memory_space<hbm>>
    %dma_wait3A_539 = tpu.memref_squeeze %dma_wait3A_538 : memref<512x1x32xf32, #tpu.memory_space<hbm>> -> memref<512x32xf32, #tpu.memory_space<hbm>>
    tpu.wait_dma2 semaphore(%arg10 : memref<!tpu.dma_semaphore, #tpu.memory_space<semaphore_mem>>) src(%arg6 : memref<512x32xf32, #tpu.memory_space<vmem>>) dst(%dma_wait3A_539 : memref<512x32xf32, #tpu.memory_space<hbm>>)
    %dma_start3A_540 = arith.constant 20 : i32
    %dma_start3A_541 = arith.constant 0 : i32
    %dma_start3A_542 = tpu.memref_slice %arg5[%dma_start3A_540, %dma_start3A_541] : memref<26x512xi32, #tpu.memory_space<vmem>> -> memref<1x512xi32, #tpu.memory_space<vmem>>
    %dma_start3A_543 = tpu.memref_squeeze %dma_start3A_542 : memref<1x512xi32, #tpu.memory_space<vmem>> -> memref<512xi32, #tpu.memory_space<vmem>>
    %dma_start3A_544 = arith.constant 0 : i32
    %dma_start3A_545 = arith.constant 0 : i32
    %dma_start3A_546 = tpu.memref_slice %arg3[%dma_start3A_544, %dma_start3A_545] : memref<1000000x32xf32, #tpu.memory_space<hbm>> -> memref<1000000x32xf32, #tpu.memory_space<hbm>>
    tpu.enqueue_indirect_dma source(%dma_start3A_546 : memref<1000000x32xf32, #tpu.memory_space<hbm>>) target(%arg6 : memref<512x32xf32, #tpu.memory_space<vmem>>) offsets(%dma_start3A_543 : memref<512xi32, #tpu.memory_space<vmem>>) semaphore(%arg8 : memref<!tpu.dma_semaphore, #tpu.memory_space<semaphore_mem>>)
    %dma_wait3A_547 = arith.constant 19 : i32
    %dma_wait3A_548 = arith.constant 0 : i32
    %dma_wait3A_549 = tpu.memref_slice %arg5[%dma_wait3A_547, %dma_wait3A_548] : memref<26x512xi32, #tpu.memory_space<vmem>> -> memref<1x512xi32, #tpu.memory_space<vmem>>
    %dma_wait3A_550 = tpu.memref_squeeze %dma_wait3A_549 : memref<1x512xi32, #tpu.memory_space<vmem>> -> memref<512xi32, #tpu.memory_space<vmem>>
    %dma_wait3A_551 = arith.constant 0 : i32
    %dma_wait3A_552 = arith.constant 0 : i32
    %dma_wait3A_553 = tpu.memref_slice %arg3[%dma_wait3A_551, %dma_wait3A_552] : memref<1000000x32xf32, #tpu.memory_space<hbm>> -> memref<1000000x32xf32, #tpu.memory_space<hbm>>
    tpu.wait_indirect_dma semaphore(%arg9 : memref<!tpu.dma_semaphore, #tpu.memory_space<semaphore_mem>>) src(%dma_wait3A_553 : memref<1000000x32xf32, #tpu.memory_space<hbm>>) dst(%arg7 : memref<512x32xf32, #tpu.memory_space<vmem>>)
    %dma_start3A_554 = arith.constant 19 : i32
    %dma_start3A_555 = arith.constant 0 : i32
    %dma_start3A_556 = tpu.memref_slice %arg4[%mul3A_2, %dma_start3A_554, %dma_start3A_555] : memref<16384x26x32xf32, #tpu.memory_space<hbm>> -> memref<512x1x32xf32, #tpu.memory_space<hbm>>
    %dma_start3A_557 = tpu.memref_squeeze %dma_start3A_556 : memref<512x1x32xf32, #tpu.memory_space<hbm>> -> memref<512x32xf32, #tpu.memory_space<hbm>>
    %dma_start3A_558 = arith.constant 0 : i32
    %dma_start3A_559 = tpu.memref_slice %arg4[%mul3A_2, %dma_start3A_554, %dma_start3A_558] : memref<16384x26x32xf32, #tpu.memory_space<hbm>> -> memref<512x1x32xf32, #tpu.memory_space<hbm>>
    %dma_start3A_560 = tpu.memref_squeeze %dma_start3A_559 : memref<512x1x32xf32, #tpu.memory_space<hbm>> -> memref<512x32xf32, #tpu.memory_space<hbm>>
    tpu.enqueue_dma source(%arg7 : memref<512x32xf32, #tpu.memory_space<vmem>>) target(%dma_start3A_560 : memref<512x32xf32, #tpu.memory_space<hbm>>) target_semaphore(%arg11 : memref<!tpu.dma_semaphore, #tpu.memory_space<semaphore_mem>>)
    %dma_wait3A_561 = arith.constant 19 : i32
    %dma_wait3A_562 = arith.constant 0 : i32
    %dma_wait3A_563 = tpu.memref_slice %arg4[%mul3A_2, %dma_wait3A_561, %dma_wait3A_562] : memref<16384x26x32xf32, #tpu.memory_space<hbm>> -> memref<512x1x32xf32, #tpu.memory_space<hbm>>
    %dma_wait3A_564 = tpu.memref_squeeze %dma_wait3A_563 : memref<512x1x32xf32, #tpu.memory_space<hbm>> -> memref<512x32xf32, #tpu.memory_space<hbm>>
    %dma_wait3A_565 = arith.constant 0 : i32
    %dma_wait3A_566 = tpu.memref_slice %arg4[%mul3A_2, %dma_wait3A_561, %dma_wait3A_565] : memref<16384x26x32xf32, #tpu.memory_space<hbm>> -> memref<512x1x32xf32, #tpu.memory_space<hbm>>
    %dma_wait3A_567 = tpu.memref_squeeze %dma_wait3A_566 : memref<512x1x32xf32, #tpu.memory_space<hbm>> -> memref<512x32xf32, #tpu.memory_space<hbm>>
    tpu.wait_dma2 semaphore(%arg11 : memref<!tpu.dma_semaphore, #tpu.memory_space<semaphore_mem>>) src(%arg7 : memref<512x32xf32, #tpu.memory_space<vmem>>) dst(%dma_wait3A_567 : memref<512x32xf32, #tpu.memory_space<hbm>>)
    %dma_start3A_568 = arith.constant 21 : i32
    %dma_start3A_569 = arith.constant 0 : i32
    %dma_start3A_570 = tpu.memref_slice %arg5[%dma_start3A_568, %dma_start3A_569] : memref<26x512xi32, #tpu.memory_space<vmem>> -> memref<1x512xi32, #tpu.memory_space<vmem>>
    %dma_start3A_571 = tpu.memref_squeeze %dma_start3A_570 : memref<1x512xi32, #tpu.memory_space<vmem>> -> memref<512xi32, #tpu.memory_space<vmem>>
    %dma_start3A_572 = arith.constant 0 : i32
    %dma_start3A_573 = arith.constant 0 : i32
    %dma_start3A_574 = tpu.memref_slice %arg3[%dma_start3A_572, %dma_start3A_573] : memref<1000000x32xf32, #tpu.memory_space<hbm>> -> memref<1000000x32xf32, #tpu.memory_space<hbm>>
    tpu.enqueue_indirect_dma source(%dma_start3A_574 : memref<1000000x32xf32, #tpu.memory_space<hbm>>) target(%arg7 : memref<512x32xf32, #tpu.memory_space<vmem>>) offsets(%dma_start3A_571 : memref<512xi32, #tpu.memory_space<vmem>>) semaphore(%arg9 : memref<!tpu.dma_semaphore, #tpu.memory_space<semaphore_mem>>)
    %dma_wait3A_575 = arith.constant 20 : i32
    %dma_wait3A_576 = arith.constant 0 : i32
    %dma_wait3A_577 = tpu.memref_slice %arg5[%dma_wait3A_575, %dma_wait3A_576] : memref<26x512xi32, #tpu.memory_space<vmem>> -> memref<1x512xi32, #tpu.memory_space<vmem>>
    %dma_wait3A_578 = tpu.memref_squeeze %dma_wait3A_577 : memref<1x512xi32, #tpu.memory_space<vmem>> -> memref<512xi32, #tpu.memory_space<vmem>>
    %dma_wait3A_579 = arith.constant 0 : i32
    %dma_wait3A_580 = arith.constant 0 : i32
    %dma_wait3A_581 = tpu.memref_slice %arg3[%dma_wait3A_579, %dma_wait3A_580] : memref<1000000x32xf32, #tpu.memory_space<hbm>> -> memref<1000000x32xf32, #tpu.memory_space<hbm>>
    tpu.wait_indirect_dma semaphore(%arg8 : memref<!tpu.dma_semaphore, #tpu.memory_space<semaphore_mem>>) src(%dma_wait3A_581 : memref<1000000x32xf32, #tpu.memory_space<hbm>>) dst(%arg6 : memref<512x32xf32, #tpu.memory_space<vmem>>)
    %dma_start3A_582 = arith.constant 20 : i32
    %dma_start3A_583 = arith.constant 0 : i32
    %dma_start3A_584 = tpu.memref_slice %arg4[%mul3A_2, %dma_start3A_582, %dma_start3A_583] : memref<16384x26x32xf32, #tpu.memory_space<hbm>> -> memref<512x1x32xf32, #tpu.memory_space<hbm>>
    %dma_start3A_585 = tpu.memref_squeeze %dma_start3A_584 : memref<512x1x32xf32, #tpu.memory_space<hbm>> -> memref<512x32xf32, #tpu.memory_space<hbm>>
    %dma_start3A_586 = arith.constant 0 : i32
    %dma_start3A_587 = tpu.memref_slice %arg4[%mul3A_2, %dma_start3A_582, %dma_start3A_586] : memref<16384x26x32xf32, #tpu.memory_space<hbm>> -> memref<512x1x32xf32, #tpu.memory_space<hbm>>
    %dma_start3A_588 = tpu.memref_squeeze %dma_start3A_587 : memref<512x1x32xf32, #tpu.memory_space<hbm>> -> memref<512x32xf32, #tpu.memory_space<hbm>>
    tpu.enqueue_dma source(%arg6 : memref<512x32xf32, #tpu.memory_space<vmem>>) target(%dma_start3A_588 : memref<512x32xf32, #tpu.memory_space<hbm>>) target_semaphore(%arg10 : memref<!tpu.dma_semaphore, #tpu.memory_space<semaphore_mem>>)
    %dma_wait3A_589 = arith.constant 20 : i32
    %dma_wait3A_590 = arith.constant 0 : i32
    %dma_wait3A_591 = tpu.memref_slice %arg4[%mul3A_2, %dma_wait3A_589, %dma_wait3A_590] : memref<16384x26x32xf32, #tpu.memory_space<hbm>> -> memref<512x1x32xf32, #tpu.memory_space<hbm>>
    %dma_wait3A_592 = tpu.memref_squeeze %dma_wait3A_591 : memref<512x1x32xf32, #tpu.memory_space<hbm>> -> memref<512x32xf32, #tpu.memory_space<hbm>>
    %dma_wait3A_593 = arith.constant 0 : i32
    %dma_wait3A_594 = tpu.memref_slice %arg4[%mul3A_2, %dma_wait3A_589, %dma_wait3A_593] : memref<16384x26x32xf32, #tpu.memory_space<hbm>> -> memref<512x1x32xf32, #tpu.memory_space<hbm>>
    %dma_wait3A_595 = tpu.memref_squeeze %dma_wait3A_594 : memref<512x1x32xf32, #tpu.memory_space<hbm>> -> memref<512x32xf32, #tpu.memory_space<hbm>>
    tpu.wait_dma2 semaphore(%arg10 : memref<!tpu.dma_semaphore, #tpu.memory_space<semaphore_mem>>) src(%arg6 : memref<512x32xf32, #tpu.memory_space<vmem>>) dst(%dma_wait3A_595 : memref<512x32xf32, #tpu.memory_space<hbm>>)
    %dma_start3A_596 = arith.constant 22 : i32
    %dma_start3A_597 = arith.constant 0 : i32
    %dma_start3A_598 = tpu.memref_slice %arg5[%dma_start3A_596, %dma_start3A_597] : memref<26x512xi32, #tpu.memory_space<vmem>> -> memref<1x512xi32, #tpu.memory_space<vmem>>
    %dma_start3A_599 = tpu.memref_squeeze %dma_start3A_598 : memref<1x512xi32, #tpu.memory_space<vmem>> -> memref<512xi32, #tpu.memory_space<vmem>>
    %dma_start3A_600 = arith.constant 0 : i32
    %dma_start3A_601 = arith.constant 0 : i32
    %dma_start3A_602 = tpu.memref_slice %arg3[%dma_start3A_600, %dma_start3A_601] : memref<1000000x32xf32, #tpu.memory_space<hbm>> -> memref<1000000x32xf32, #tpu.memory_space<hbm>>
    tpu.enqueue_indirect_dma source(%dma_start3A_602 : memref<1000000x32xf32, #tpu.memory_space<hbm>>) target(%arg6 : memref<512x32xf32, #tpu.memory_space<vmem>>) offsets(%dma_start3A_599 : memref<512xi32, #tpu.memory_space<vmem>>) semaphore(%arg8 : memref<!tpu.dma_semaphore, #tpu.memory_space<semaphore_mem>>)
    %dma_wait3A_603 = arith.constant 21 : i32
    %dma_wait3A_604 = arith.constant 0 : i32
    %dma_wait3A_605 = tpu.memref_slice %arg5[%dma_wait3A_603, %dma_wait3A_604] : memref<26x512xi32, #tpu.memory_space<vmem>> -> memref<1x512xi32, #tpu.memory_space<vmem>>
    %dma_wait3A_606 = tpu.memref_squeeze %dma_wait3A_605 : memref<1x512xi32, #tpu.memory_space<vmem>> -> memref<512xi32, #tpu.memory_space<vmem>>
    %dma_wait3A_607 = arith.constant 0 : i32
    %dma_wait3A_608 = arith.constant 0 : i32
    %dma_wait3A_609 = tpu.memref_slice %arg3[%dma_wait3A_607, %dma_wait3A_608] : memref<1000000x32xf32, #tpu.memory_space<hbm>> -> memref<1000000x32xf32, #tpu.memory_space<hbm>>
    tpu.wait_indirect_dma semaphore(%arg9 : memref<!tpu.dma_semaphore, #tpu.memory_space<semaphore_mem>>) src(%dma_wait3A_609 : memref<1000000x32xf32, #tpu.memory_space<hbm>>) dst(%arg7 : memref<512x32xf32, #tpu.memory_space<vmem>>)
    %dma_start3A_610 = arith.constant 21 : i32
    %dma_start3A_611 = arith.constant 0 : i32
    %dma_start3A_612 = tpu.memref_slice %arg4[%mul3A_2, %dma_start3A_610, %dma_start3A_611] : memref<16384x26x32xf32, #tpu.memory_space<hbm>> -> memref<512x1x32xf32, #tpu.memory_space<hbm>>
    %dma_start3A_613 = tpu.memref_squeeze %dma_start3A_612 : memref<512x1x32xf32, #tpu.memory_space<hbm>> -> memref<512x32xf32, #tpu.memory_space<hbm>>
    %dma_start3A_614 = arith.constant 0 : i32
    %dma_start3A_615 = tpu.memref_slice %arg4[%mul3A_2, %dma_start3A_610, %dma_start3A_614] : memref<16384x26x32xf32, #tpu.memory_space<hbm>> -> memref<512x1x32xf32, #tpu.memory_space<hbm>>
    %dma_start3A_616 = tpu.memref_squeeze %dma_start3A_615 : memref<512x1x32xf32, #tpu.memory_space<hbm>> -> memref<512x32xf32, #tpu.memory_space<hbm>>
    tpu.enqueue_dma source(%arg7 : memref<512x32xf32, #tpu.memory_space<vmem>>) target(%dma_start3A_616 : memref<512x32xf32, #tpu.memory_space<hbm>>) target_semaphore(%arg11 : memref<!tpu.dma_semaphore, #tpu.memory_space<semaphore_mem>>)
    %dma_wait3A_617 = arith.constant 21 : i32
    %dma_wait3A_618 = arith.constant 0 : i32
    %dma_wait3A_619 = tpu.memref_slice %arg4[%mul3A_2, %dma_wait3A_617, %dma_wait3A_618] : memref<16384x26x32xf32, #tpu.memory_space<hbm>> -> memref<512x1x32xf32, #tpu.memory_space<hbm>>
    %dma_wait3A_620 = tpu.memref_squeeze %dma_wait3A_619 : memref<512x1x32xf32, #tpu.memory_space<hbm>> -> memref<512x32xf32, #tpu.memory_space<hbm>>
    %dma_wait3A_621 = arith.constant 0 : i32
    %dma_wait3A_622 = tpu.memref_slice %arg4[%mul3A_2, %dma_wait3A_617, %dma_wait3A_621] : memref<16384x26x32xf32, #tpu.memory_space<hbm>> -> memref<512x1x32xf32, #tpu.memory_space<hbm>>
    %dma_wait3A_623 = tpu.memref_squeeze %dma_wait3A_622 : memref<512x1x32xf32, #tpu.memory_space<hbm>> -> memref<512x32xf32, #tpu.memory_space<hbm>>
    tpu.wait_dma2 semaphore(%arg11 : memref<!tpu.dma_semaphore, #tpu.memory_space<semaphore_mem>>) src(%arg7 : memref<512x32xf32, #tpu.memory_space<vmem>>) dst(%dma_wait3A_623 : memref<512x32xf32, #tpu.memory_space<hbm>>)
    %dma_start3A_624 = arith.constant 23 : i32
    %dma_start3A_625 = arith.constant 0 : i32
    %dma_start3A_626 = tpu.memref_slice %arg5[%dma_start3A_624, %dma_start3A_625] : memref<26x512xi32, #tpu.memory_space<vmem>> -> memref<1x512xi32, #tpu.memory_space<vmem>>
    %dma_start3A_627 = tpu.memref_squeeze %dma_start3A_626 : memref<1x512xi32, #tpu.memory_space<vmem>> -> memref<512xi32, #tpu.memory_space<vmem>>
    %dma_start3A_628 = arith.constant 0 : i32
    %dma_start3A_629 = arith.constant 0 : i32
    %dma_start3A_630 = tpu.memref_slice %arg3[%dma_start3A_628, %dma_start3A_629] : memref<1000000x32xf32, #tpu.memory_space<hbm>> -> memref<1000000x32xf32, #tpu.memory_space<hbm>>
    tpu.enqueue_indirect_dma source(%dma_start3A_630 : memref<1000000x32xf32, #tpu.memory_space<hbm>>) target(%arg7 : memref<512x32xf32, #tpu.memory_space<vmem>>) offsets(%dma_start3A_627 : memref<512xi32, #tpu.memory_space<vmem>>) semaphore(%arg9 : memref<!tpu.dma_semaphore, #tpu.memory_space<semaphore_mem>>)
    %dma_wait3A_631 = arith.constant 22 : i32
    %dma_wait3A_632 = arith.constant 0 : i32
    %dma_wait3A_633 = tpu.memref_slice %arg5[%dma_wait3A_631, %dma_wait3A_632] : memref<26x512xi32, #tpu.memory_space<vmem>> -> memref<1x512xi32, #tpu.memory_space<vmem>>
    %dma_wait3A_634 = tpu.memref_squeeze %dma_wait3A_633 : memref<1x512xi32, #tpu.memory_space<vmem>> -> memref<512xi32, #tpu.memory_space<vmem>>
    %dma_wait3A_635 = arith.constant 0 : i32
    %dma_wait3A_636 = arith.constant 0 : i32
    %dma_wait3A_637 = tpu.memref_slice %arg3[%dma_wait3A_635, %dma_wait3A_636] : memref<1000000x32xf32, #tpu.memory_space<hbm>> -> memref<1000000x32xf32, #tpu.memory_space<hbm>>
    tpu.wait_indirect_dma semaphore(%arg8 : memref<!tpu.dma_semaphore, #tpu.memory_space<semaphore_mem>>) src(%dma_wait3A_637 : memref<1000000x32xf32, #tpu.memory_space<hbm>>) dst(%arg6 : memref<512x32xf32, #tpu.memory_space<vmem>>)
    %dma_start3A_638 = arith.constant 22 : i32
    %dma_start3A_639 = arith.constant 0 : i32
    %dma_start3A_640 = tpu.memref_slice %arg4[%mul3A_2, %dma_start3A_638, %dma_start3A_639] : memref<16384x26x32xf32, #tpu.memory_space<hbm>> -> memref<512x1x32xf32, #tpu.memory_space<hbm>>
    %dma_start3A_641 = tpu.memref_squeeze %dma_start3A_640 : memref<512x1x32xf32, #tpu.memory_space<hbm>> -> memref<512x32xf32, #tpu.memory_space<hbm>>
    %dma_start3A_642 = arith.constant 0 : i32
    %dma_start3A_643 = tpu.memref_slice %arg4[%mul3A_2, %dma_start3A_638, %dma_start3A_642] : memref<16384x26x32xf32, #tpu.memory_space<hbm>> -> memref<512x1x32xf32, #tpu.memory_space<hbm>>
    %dma_start3A_644 = tpu.memref_squeeze %dma_start3A_643 : memref<512x1x32xf32, #tpu.memory_space<hbm>> -> memref<512x32xf32, #tpu.memory_space<hbm>>
    tpu.enqueue_dma source(%arg6 : memref<512x32xf32, #tpu.memory_space<vmem>>) target(%dma_start3A_644 : memref<512x32xf32, #tpu.memory_space<hbm>>) target_semaphore(%arg10 : memref<!tpu.dma_semaphore, #tpu.memory_space<semaphore_mem>>)
    %dma_wait3A_645 = arith.constant 22 : i32
    %dma_wait3A_646 = arith.constant 0 : i32
    %dma_wait3A_647 = tpu.memref_slice %arg4[%mul3A_2, %dma_wait3A_645, %dma_wait3A_646] : memref<16384x26x32xf32, #tpu.memory_space<hbm>> -> memref<512x1x32xf32, #tpu.memory_space<hbm>>
    %dma_wait3A_648 = tpu.memref_squeeze %dma_wait3A_647 : memref<512x1x32xf32, #tpu.memory_space<hbm>> -> memref<512x32xf32, #tpu.memory_space<hbm>>
    %dma_wait3A_649 = arith.constant 0 : i32
    %dma_wait3A_650 = tpu.memref_slice %arg4[%mul3A_2, %dma_wait3A_645, %dma_wait3A_649] : memref<16384x26x32xf32, #tpu.memory_space<hbm>> -> memref<512x1x32xf32, #tpu.memory_space<hbm>>
    %dma_wait3A_651 = tpu.memref_squeeze %dma_wait3A_650 : memref<512x1x32xf32, #tpu.memory_space<hbm>> -> memref<512x32xf32, #tpu.memory_space<hbm>>
    tpu.wait_dma2 semaphore(%arg10 : memref<!tpu.dma_semaphore, #tpu.memory_space<semaphore_mem>>) src(%arg6 : memref<512x32xf32, #tpu.memory_space<vmem>>) dst(%dma_wait3A_651 : memref<512x32xf32, #tpu.memory_space<hbm>>)
    %dma_start3A_652 = arith.constant 24 : i32
    %dma_start3A_653 = arith.constant 0 : i32
    %dma_start3A_654 = tpu.memref_slice %arg5[%dma_start3A_652, %dma_start3A_653] : memref<26x512xi32, #tpu.memory_space<vmem>> -> memref<1x512xi32, #tpu.memory_space<vmem>>
    %dma_start3A_655 = tpu.memref_squeeze %dma_start3A_654 : memref<1x512xi32, #tpu.memory_space<vmem>> -> memref<512xi32, #tpu.memory_space<vmem>>
    %dma_start3A_656 = arith.constant 0 : i32
    %dma_start3A_657 = arith.constant 0 : i32
    %dma_start3A_658 = tpu.memref_slice %arg3[%dma_start3A_656, %dma_start3A_657] : memref<1000000x32xf32, #tpu.memory_space<hbm>> -> memref<1000000x32xf32, #tpu.memory_space<hbm>>
    tpu.enqueue_indirect_dma source(%dma_start3A_658 : memref<1000000x32xf32, #tpu.memory_space<hbm>>) target(%arg6 : memref<512x32xf32, #tpu.memory_space<vmem>>) offsets(%dma_start3A_655 : memref<512xi32, #tpu.memory_space<vmem>>) semaphore(%arg8 : memref<!tpu.dma_semaphore, #tpu.memory_space<semaphore_mem>>)
    %dma_wait3A_659 = arith.constant 23 : i32
    %dma_wait3A_660 = arith.constant 0 : i32
    %dma_wait3A_661 = tpu.memref_slice %arg5[%dma_wait3A_659, %dma_wait3A_660] : memref<26x512xi32, #tpu.memory_space<vmem>> -> memref<1x512xi32, #tpu.memory_space<vmem>>
    %dma_wait3A_662 = tpu.memref_squeeze %dma_wait3A_661 : memref<1x512xi32, #tpu.memory_space<vmem>> -> memref<512xi32, #tpu.memory_space<vmem>>
    %dma_wait3A_663 = arith.constant 0 : i32
    %dma_wait3A_664 = arith.constant 0 : i32
    %dma_wait3A_665 = tpu.memref_slice %arg3[%dma_wait3A_663, %dma_wait3A_664] : memref<1000000x32xf32, #tpu.memory_space<hbm>> -> memref<1000000x32xf32, #tpu.memory_space<hbm>>
    tpu.wait_indirect_dma semaphore(%arg9 : memref<!tpu.dma_semaphore, #tpu.memory_space<semaphore_mem>>) src(%dma_wait3A_665 : memref<1000000x32xf32, #tpu.memory_space<hbm>>) dst(%arg7 : memref<512x32xf32, #tpu.memory_space<vmem>>)
    %dma_start3A_666 = arith.constant 23 : i32
    %dma_start3A_667 = arith.constant 0 : i32
    %dma_start3A_668 = tpu.memref_slice %arg4[%mul3A_2, %dma_start3A_666, %dma_start3A_667] : memref<16384x26x32xf32, #tpu.memory_space<hbm>> -> memref<512x1x32xf32, #tpu.memory_space<hbm>>
    %dma_start3A_669 = tpu.memref_squeeze %dma_start3A_668 : memref<512x1x32xf32, #tpu.memory_space<hbm>> -> memref<512x32xf32, #tpu.memory_space<hbm>>
    %dma_start3A_670 = arith.constant 0 : i32
    %dma_start3A_671 = tpu.memref_slice %arg4[%mul3A_2, %dma_start3A_666, %dma_start3A_670] : memref<16384x26x32xf32, #tpu.memory_space<hbm>> -> memref<512x1x32xf32, #tpu.memory_space<hbm>>
    %dma_start3A_672 = tpu.memref_squeeze %dma_start3A_671 : memref<512x1x32xf32, #tpu.memory_space<hbm>> -> memref<512x32xf32, #tpu.memory_space<hbm>>
    tpu.enqueue_dma source(%arg7 : memref<512x32xf32, #tpu.memory_space<vmem>>) target(%dma_start3A_672 : memref<512x32xf32, #tpu.memory_space<hbm>>) target_semaphore(%arg11 : memref<!tpu.dma_semaphore, #tpu.memory_space<semaphore_mem>>)
    %dma_wait3A_673 = arith.constant 23 : i32
    %dma_wait3A_674 = arith.constant 0 : i32
    %dma_wait3A_675 = tpu.memref_slice %arg4[%mul3A_2, %dma_wait3A_673, %dma_wait3A_674] : memref<16384x26x32xf32, #tpu.memory_space<hbm>> -> memref<512x1x32xf32, #tpu.memory_space<hbm>>
    %dma_wait3A_676 = tpu.memref_squeeze %dma_wait3A_675 : memref<512x1x32xf32, #tpu.memory_space<hbm>> -> memref<512x32xf32, #tpu.memory_space<hbm>>
    %dma_wait3A_677 = arith.constant 0 : i32
    %dma_wait3A_678 = tpu.memref_slice %arg4[%mul3A_2, %dma_wait3A_673, %dma_wait3A_677] : memref<16384x26x32xf32, #tpu.memory_space<hbm>> -> memref<512x1x32xf32, #tpu.memory_space<hbm>>
    %dma_wait3A_679 = tpu.memref_squeeze %dma_wait3A_678 : memref<512x1x32xf32, #tpu.memory_space<hbm>> -> memref<512x32xf32, #tpu.memory_space<hbm>>
    tpu.wait_dma2 semaphore(%arg11 : memref<!tpu.dma_semaphore, #tpu.memory_space<semaphore_mem>>) src(%arg7 : memref<512x32xf32, #tpu.memory_space<vmem>>) dst(%dma_wait3A_679 : memref<512x32xf32, #tpu.memory_space<hbm>>)
    %dma_start3A_680 = arith.constant 25 : i32
    %dma_start3A_681 = arith.constant 0 : i32
    %dma_start3A_682 = tpu.memref_slice %arg5[%dma_start3A_680, %dma_start3A_681] : memref<26x512xi32, #tpu.memory_space<vmem>> -> memref<1x512xi32, #tpu.memory_space<vmem>>
    %dma_start3A_683 = tpu.memref_squeeze %dma_start3A_682 : memref<1x512xi32, #tpu.memory_space<vmem>> -> memref<512xi32, #tpu.memory_space<vmem>>
    %dma_start3A_684 = arith.constant 0 : i32
    %dma_start3A_685 = arith.constant 0 : i32
    %dma_start3A_686 = tpu.memref_slice %arg3[%dma_start3A_684, %dma_start3A_685] : memref<1000000x32xf32, #tpu.memory_space<hbm>> -> memref<1000000x32xf32, #tpu.memory_space<hbm>>
    tpu.enqueue_indirect_dma source(%dma_start3A_686 : memref<1000000x32xf32, #tpu.memory_space<hbm>>) target(%arg7 : memref<512x32xf32, #tpu.memory_space<vmem>>) offsets(%dma_start3A_683 : memref<512xi32, #tpu.memory_space<vmem>>) semaphore(%arg9 : memref<!tpu.dma_semaphore, #tpu.memory_space<semaphore_mem>>)
    %dma_wait3A_687 = arith.constant 24 : i32
    %dma_wait3A_688 = arith.constant 0 : i32
    %dma_wait3A_689 = tpu.memref_slice %arg5[%dma_wait3A_687, %dma_wait3A_688] : memref<26x512xi32, #tpu.memory_space<vmem>> -> memref<1x512xi32, #tpu.memory_space<vmem>>
    %dma_wait3A_690 = tpu.memref_squeeze %dma_wait3A_689 : memref<1x512xi32, #tpu.memory_space<vmem>> -> memref<512xi32, #tpu.memory_space<vmem>>
    %dma_wait3A_691 = arith.constant 0 : i32
    %dma_wait3A_692 = arith.constant 0 : i32
    %dma_wait3A_693 = tpu.memref_slice %arg3[%dma_wait3A_691, %dma_wait3A_692] : memref<1000000x32xf32, #tpu.memory_space<hbm>> -> memref<1000000x32xf32, #tpu.memory_space<hbm>>
    tpu.wait_indirect_dma semaphore(%arg8 : memref<!tpu.dma_semaphore, #tpu.memory_space<semaphore_mem>>) src(%dma_wait3A_693 : memref<1000000x32xf32, #tpu.memory_space<hbm>>) dst(%arg6 : memref<512x32xf32, #tpu.memory_space<vmem>>)
    %dma_start3A_694 = arith.constant 24 : i32
    %dma_start3A_695 = arith.constant 0 : i32
    %dma_start3A_696 = tpu.memref_slice %arg4[%mul3A_2, %dma_start3A_694, %dma_start3A_695] : memref<16384x26x32xf32, #tpu.memory_space<hbm>> -> memref<512x1x32xf32, #tpu.memory_space<hbm>>
    %dma_start3A_697 = tpu.memref_squeeze %dma_start3A_696 : memref<512x1x32xf32, #tpu.memory_space<hbm>> -> memref<512x32xf32, #tpu.memory_space<hbm>>
    %dma_start3A_698 = arith.constant 0 : i32
    %dma_start3A_699 = tpu.memref_slice %arg4[%mul3A_2, %dma_start3A_694, %dma_start3A_698] : memref<16384x26x32xf32, #tpu.memory_space<hbm>> -> memref<512x1x32xf32, #tpu.memory_space<hbm>>
    %dma_start3A_700 = tpu.memref_squeeze %dma_start3A_699 : memref<512x1x32xf32, #tpu.memory_space<hbm>> -> memref<512x32xf32, #tpu.memory_space<hbm>>
    tpu.enqueue_dma source(%arg6 : memref<512x32xf32, #tpu.memory_space<vmem>>) target(%dma_start3A_700 : memref<512x32xf32, #tpu.memory_space<hbm>>) target_semaphore(%arg10 : memref<!tpu.dma_semaphore, #tpu.memory_space<semaphore_mem>>)
    %dma_wait3A_701 = arith.constant 24 : i32
    %dma_wait3A_702 = arith.constant 0 : i32
    %dma_wait3A_703 = tpu.memref_slice %arg4[%mul3A_2, %dma_wait3A_701, %dma_wait3A_702] : memref<16384x26x32xf32, #tpu.memory_space<hbm>> -> memref<512x1x32xf32, #tpu.memory_space<hbm>>
    %dma_wait3A_704 = tpu.memref_squeeze %dma_wait3A_703 : memref<512x1x32xf32, #tpu.memory_space<hbm>> -> memref<512x32xf32, #tpu.memory_space<hbm>>
    %dma_wait3A_705 = arith.constant 0 : i32
    %dma_wait3A_706 = tpu.memref_slice %arg4[%mul3A_2, %dma_wait3A_701, %dma_wait3A_705] : memref<16384x26x32xf32, #tpu.memory_space<hbm>> -> memref<512x1x32xf32, #tpu.memory_space<hbm>>
    %dma_wait3A_707 = tpu.memref_squeeze %dma_wait3A_706 : memref<512x1x32xf32, #tpu.memory_space<hbm>> -> memref<512x32xf32, #tpu.memory_space<hbm>>
    tpu.wait_dma2 semaphore(%arg10 : memref<!tpu.dma_semaphore, #tpu.memory_space<semaphore_mem>>) src(%arg6 : memref<512x32xf32, #tpu.memory_space<vmem>>) dst(%dma_wait3A_707 : memref<512x32xf32, #tpu.memory_space<hbm>>)
    %dma_wait3A_708 = arith.constant 25 : i32
    %dma_wait3A_709 = arith.constant 0 : i32
    %dma_wait3A_710 = tpu.memref_slice %arg5[%dma_wait3A_708, %dma_wait3A_709] : memref<26x512xi32, #tpu.memory_space<vmem>> -> memref<1x512xi32, #tpu.memory_space<vmem>>
    %dma_wait3A_711 = tpu.memref_squeeze %dma_wait3A_710 : memref<1x512xi32, #tpu.memory_space<vmem>> -> memref<512xi32, #tpu.memory_space<vmem>>
    %dma_wait3A_712 = arith.constant 0 : i32
    %dma_wait3A_713 = arith.constant 0 : i32
    %dma_wait3A_714 = tpu.memref_slice %arg3[%dma_wait3A_712, %dma_wait3A_713] : memref<1000000x32xf32, #tpu.memory_space<hbm>> -> memref<1000000x32xf32, #tpu.memory_space<hbm>>
    tpu.wait_indirect_dma semaphore(%arg9 : memref<!tpu.dma_semaphore, #tpu.memory_space<semaphore_mem>>) src(%dma_wait3A_714 : memref<1000000x32xf32, #tpu.memory_space<hbm>>) dst(%arg7 : memref<512x32xf32, #tpu.memory_space<vmem>>)
    %dma_start3A_715 = arith.constant 25 : i32
    %dma_start3A_716 = arith.constant 0 : i32
    %dma_start3A_717 = tpu.memref_slice %arg4[%mul3A_2, %dma_start3A_715, %dma_start3A_716] : memref<16384x26x32xf32, #tpu.memory_space<hbm>> -> memref<512x1x32xf32, #tpu.memory_space<hbm>>
    %dma_start3A_718 = tpu.memref_squeeze %dma_start3A_717 : memref<512x1x32xf32, #tpu.memory_space<hbm>> -> memref<512x32xf32, #tpu.memory_space<hbm>>
    %dma_start3A_719 = arith.constant 0 : i32
    %dma_start3A_720 = tpu.memref_slice %arg4[%mul3A_2, %dma_start3A_715, %dma_start3A_719] : memref<16384x26x32xf32, #tpu.memory_space<hbm>> -> memref<512x1x32xf32, #tpu.memory_space<hbm>>
    %dma_start3A_721 = tpu.memref_squeeze %dma_start3A_720 : memref<512x1x32xf32, #tpu.memory_space<hbm>> -> memref<512x32xf32, #tpu.memory_space<hbm>>
    tpu.enqueue_dma source(%arg7 : memref<512x32xf32, #tpu.memory_space<vmem>>) target(%dma_start3A_721 : memref<512x32xf32, #tpu.memory_space<hbm>>) target_semaphore(%arg11 : memref<!tpu.dma_semaphore, #tpu.memory_space<semaphore_mem>>)
    %dma_wait3A_722 = arith.constant 25 : i32
    %dma_wait3A_723 = arith.constant 0 : i32
    %dma_wait3A_724 = tpu.memref_slice %arg4[%mul3A_2, %dma_wait3A_722, %dma_wait3A_723] : memref<16384x26x32xf32, #tpu.memory_space<hbm>> -> memref<512x1x32xf32, #tpu.memory_space<hbm>>
    %dma_wait3A_725 = tpu.memref_squeeze %dma_wait3A_724 : memref<512x1x32xf32, #tpu.memory_space<hbm>> -> memref<512x32xf32, #tpu.memory_space<hbm>>
    %dma_wait3A_726 = arith.constant 0 : i32
    %dma_wait3A_727 = tpu.memref_slice %arg4[%mul3A_2, %dma_wait3A_722, %dma_wait3A_726] : memref<16384x26x32xf32, #tpu.memory_space<hbm>> -> memref<512x1x32xf32, #tpu.memory_space<hbm>>
    %dma_wait3A_728 = tpu.memref_squeeze %dma_wait3A_727 : memref<512x1x32xf32, #tpu.memory_space<hbm>> -> memref<512x32xf32, #tpu.memory_space<hbm>>
    tpu.wait_dma2 semaphore(%arg11 : memref<!tpu.dma_semaphore, #tpu.memory_space<semaphore_mem>>) src(%arg7 : memref<512x32xf32, #tpu.memory_space<vmem>>) dst(%dma_wait3A_728 : memref<512x32xf32, #tpu.memory_space<hbm>>)
    return
  }
}

</mosaic_0001>

<sc_bundles>
// kernel: kernel.3.cloned.1.call-start
scs
__scs_entry_jumppad:
0x0: {  	(pc) =	sbr.rel $0x88, $3  }
0x1: {  	(tag) =	ssettag $0x0;
	lr =	simm.s32 $0x1  }
0x2: {  	[smem:$0x3F9F] =	sst lr;
	_ =	strace $0xD0000000  }
0x3: {  	_ = 	snop  }
0x4: {  	_ = 	snop  }
0x5: {  	_ = 	snop  }
0x6: {  	_ = 	snop  }
0x7: {  	_ = 	snop  }
__scs_overlays_trampoline_lowered:
0x8: {  	[smem:$0x3FAE] =	sst s0  }
0x9: {  	[smem:$0x3FAF] =	sst s1  }
0xa: {  	[smem:$0x3FB0] =	sst s2  }
0xb: {  	[smem:$0x3FB1] =	sst s3  }
0xc: {  	[smem:$0x3FB2] =	sst s4  }
0xd: {  	[smem:$0x3FB3] =	sst s5  }
0xe: {  	[smem:$0x3FB4] =	sst s6  }
0xf: {  	[smem:$0x3FB5] =	sst s7  }
0x10: {  	[smem:$0x3FB6] =	sst s8  }
0x11: {  	[smem:$0x3FB7] =	sst s9;
	s0 =	simm.s32 @!p0 $0x0  }
0x12: {  	s1 =	sld [smem:$0x3F9D];
	s0 =	simm.s32 @p0 $0x1  }
0x13: {  	[smem:$0x3FB8] =	sst s0;
	s0 =	simm.s32 @!p1 $0x0  }
0x14: {  	s2 =	sld [smem:$0x3F9C];
	s0 =	simm.s32 @p1 $0x1  }
0x15: {  	[smem:$0x3FB9] =	sst s0;
	s0 =	simm.s32 @!p2 $0x0  }
0x16: {  	s3 =	sld [smem:$0x3FDB];
	s0 =	simm.s32 @p2 $0x1  }
0x17: {  	s4 =	simm.s32 $0x1BF5;
	[smem:$0x3FBB] =	sst s0  }
0x18: {  	s0 =	sld [smem:$0x3F9E];
	_ =	swait.ge [sflag:s4], $0x0  }
0x19: {  	s7 =	sld [smem:$0x3F9F]  }
0x1a: {  	s8 =	sadd.s32 $0xFFFFE003, lr  }
0x1b: {  	s9 =	sadd.s32 $0xFFFFFEF7, lr;
	s5 =	simm.s32 $0xFFFFFFFF;
	p2 =	slt.u32 s8, $0xFFFFF086  }
0x1c: {  	p1 =	slt.u32 s9, $0xF7A;
	s5 =	simm.s32 @!p2 $0x0  }
0x1d: {  	s5 =	simm.s32 @p1 $0x1;
	p0 =	seq.s32 s7, s2  }
0x1e: {  	s7 =	smul.u32 @!p0 $0xF7A, s2;
	p2 =	seq.s32 @!p0 s5, $0x0  }
0x1f: {  	s9 =	smul.u32 $0xF7A, s1;
	s8 =	simm.s32 @!p0 $0x1BF5;
	p2 =	por !p2, p0  }
0x20: {  	[sflag:s8] =	ssyncset.s32 @!p0 $0xFFFFF086;
	s6 =	sadd.s32 @!p0 s3, s7;
	s7 =	simm.s32 @!p0 $0x108  }
0x21: {  	s3 =	sadd.s32 s3, s9;
	s6 =	sadd.s32 @!p0 $0x88, s6;
	s7 =	simm.s32 @p2 $0x1082  }
0x22: {  	[simem:s7], [sflag:s8] =	dma.local @!p0 [hbm:s6], $0xF7A  }
0x23: {  	s9 =	sor.u32 $0xD0000000, s2;
	s6 =	simm.s32 $0x108;
	_ =	swait.ge @!p0 [sflag:s8], $0x0  }
0x24: {  	s3 =	sadd.s32 $0x88, s3;
	s6 =	simm.s32 @!p1 $0x1082;
	[sflag:s4] =	ssyncset.s32 $0xFFFFF086  }
0x25: {  	[simem:s6], [sflag:s4] =	dma.local [hbm:s3], $0xF7A  }
0x26: {  	[smem:$0x3F9F] =	sst s1;
	(tag) =	ssettag s2;
	_ =	strace s9  }
0x27: {  	s1 =	sld [smem:$0x3FAF]  }
0x28: {  	s2 =	sld [smem:$0x3FB0]  }
0x29: {  	s4 =	sld [smem:$0x3FB2]  }
0x2a: {  	p0 =	seq.s32 s5, $0x0;
	s5 =	sld [smem:$0x3FB3]  }
0x2b: {  	s6 =	sld [smem:$0x3FB4]  }
0x2c: {  	s7 =	sld [smem:$0x3FB5]  }
0x2d: {  	s3 =	simm.s32 $0x108;
	s8 =	sld [smem:$0x3FB6]  }
0x2e: {  	s3 =	simm.s32 @!p0 $0x1082;
	s9 =	sld [smem:$0x3FB7]  }
0x2f: {  	lr =	sadd.s32 s0, s3;
	s0 =	sld [smem:$0x3FAE]  }
0x30: {  	s3 =	sld [smem:$0x3FB1]  }
0x31: {  	[smem:$0x3FBA] =	sst s10  }
0x32: {  	s10 =	sld [smem:$0x3FB8];
	_ =	sdelay $0x3  }
0x33: {  	p0 =	seq.s32 s10, $0x1;
	s10 =	sld [smem:$0x3FBA];
	_ =	sdelay $0x3  }
0x34: {  	[smem:$0x3FBA] =	sst s10  }
0x35: {  	s10 =	sld [smem:$0x3FB9];
	_ =	sdelay $0x3  }
0x36: {  	p1 =	seq.s32 s10, $0x1;
	s10 =	sld [smem:$0x3FBA];
	_ =	sdelay $0x3  }
0x37: {  	[smem:$0x3FBA] =	sst s10  }
0x38: {  	s10 =	sld [smem:$0x3FBB]  }
0x39: {  	_ = 	snop;
	(pc) =	sbr.ind lr, $3  }
0x3a: {  	_ = 	snop  }
0x3b: {  	_ = 	snop  }
0x3c: {  	p2 =	seq.s32 s10, $0x1;
	s10 =	sld [smem:$0x3FBA]  }
0x3d: {  	_ =	shalt  }
0x3e: {  	_ =	shalt  }
0x3f: {  	_ =	shalt  }
0x40: {  	_ =	shalt  }
0x41: {  	_ =	shalt  }
0x42: {  	_ =	shalt  }
0x43: {  	_ =	shalt  }
0x44: {  	_ =	shalt  }
0x45: {  	_ =	shalt  }
0x46: {  	_ =	shalt  }
0x47: {  	_ =	shalt  }
0x48: {  	_ =	shalt  }
0x49: {  	_ =	shalt  }
0x4a: {  	_ =	shalt  }
0x4b: {  	_ =	shalt  }
0x4c: {  	_ =	shalt  }
0x4d: {  	_ =	shalt  }
0x4e: {  	_ =	shalt  }
0x4f: {  	_ =	shalt  }
0x50: {  	_ =	shalt  }
0x51: {  	_ =	shalt  }
0x52: {  	_ =	shalt  }
0x53: {  	_ =	shalt  }
0x54: {  	_ =	shalt  }
0x55: {  	_ =	shalt  }
0x56: {  	_ =	shalt  }
0x57: {  	_ =	shalt  }
0x58: {  	_ =	shalt  }
0x59: {  	_ =	shalt  }
0x5a: {  	_ =	shalt  }
0x5b: {  	_ =	shalt  }
0x5c: {  	_ =	shalt  }
0x5d: {  	_ =	shalt  }
0x5e: {  	_ =	shalt  }
0x5f: {  	_ =	shalt  }
0x60: {  	_ =	shalt  }
0x61: {  	_ =	shalt  }
0x62: {  	_ =	shalt  }
0x63: {  	_ =	shalt  }
0x64: {  	_ =	shalt  }
0x65: {  	_ =	shalt  }
0x66: {  	_ =	shalt  }
0x67: {  	_ =	shalt  }
0x68: {  	_ =	shalt  }
0x69: {  	_ =	shalt  }
0x6a: {  	_ =	shalt  }
0x6b: {  	_ =	shalt  }
0x6c: {  	_ =	shalt  }
0x6d: {  	_ =	shalt  }
0x6e: {  	_ =	shalt  }
0x6f: {  	_ =	shalt  }
0x70: {  	_ =	shalt  }
0x71: {  	_ =	shalt  }
0x72: {  	_ =	shalt  }
0x73: {  	_ =	shalt  }
0x74: {  	_ =	shalt  }
0x75: {  	_ =	shalt  }
0x76: {  	_ =	shalt  }
0x77: {  	_ =	shalt  }
0x78: {  	_ =	shalt  }
0x79: {  	_ =	shalt  }
0x7a: {  	_ =	shalt  }
0x7b: {  	_ =	shalt  }
0x7c: {  	_ =	shalt  }
0x7d: {  	_ =	shalt  }
0x7e: {  	_ =	shalt  }
0x7f: {  	_ =	shalt  }
0x80: {  	_ =	shalt  }
0x81: {  	_ =	shalt  }
0x82: {  	_ =	shalt  }
0x83: {  	_ =	shalt  }
0x84: {  	_ =	shalt  }
0x85: {  	_ =	shalt  }
0x86: {  	_ =	shalt  }
0x87: {  	_ =	shalt  }
.Lfunc_end0:
.L_simem_size_0:
called_computation.1_lowered:
.L_overlay_start_0:
0x88: {  	s2 =	sld [smem:$0x3FD9]  }
0x89: {  	s3 =	sld [smem:$0x3FFE];
	_ =	sdelay $0x1  }
0x8a: {  	s1 =	srdreg.scid  }
0x8b: {  	s0 =	sand.u32 $0x1, s1  }
0x8c: {  	s17 =	sshll.u32 s0, $0xA;
	s2 =	sadd.s32 s3, s2  }
0x8d: {  	s2 =	sadd.s32 s2, s17  }
0x8e: {  	[smem:$0x3FC6] =	sst s2  }
0x8f: {  	_ = 	snop  }
0x90: {  	s2 =	sld [smem:$0x3FD0];
	(tm) =	ssettm $0x1  }
0x91: {  	s18 =	sld [smem:$0x3FFB];
	_ =	sdelay $0x3  }
0x92: {  	_ =	strace s18  }
0x93: {  	s3 =	sld [smem:$0x3FFC];
	_ =	sdelay $0x3  }
0x94: {  	_ =	strace s3  }
0x95: {  	s3 =	sld [smem:$0x3FFD];
	_ =	sdelay $0x3  }
0x96: {  	_ =	strace s3  }
0x97: {  	_ =	strace $0x8FFFFFFF  }
0x98: {  	s19 =	sld [smem:$0x3FDB];
	_ =	sdelay $0x1  }
0x99: {  	s4 =	simm.s32 $_scs_section_size  }
0x9a: {  	s5 =	simm.s32 $_size__tile_overlayer_lowered;
	s6 =	simm.s32 $_tile_overlayer_lowered  }
0x9b: {  	s22 =	simm.s32 $0x1BFF;
	s21 =	sshll.u32 s6, $0x1;
	s3 =	sadd.s32 s4, s19  }
0x9c: {  	s7 =	simm.s32 $0x0;
	s20 =	sshll.u32 s5, $0x1;
	s5 =	sadd.s32 s21, s3  }
0x9d: {  	[timem:s7], [sflag:s22] =	dma.local [hbm:s5], s20  }
0x9e: {  	_ =	swait.ge [sflag:s22], s20  }
0x9f: {  	s4 =	ssub.s32 $0x0, s20;
	[sflag:s22] =	ssyncset.done $0x0  }
0xa0: {  	[sflag:s22] =	ssyncadd.s32 s4;
	_ =	sdelay $0x1  }
0xa1: {  	s23 =	simm.s32 $0x1B8B  }
0xa2: {  	_ =	swait.ge [sflag:s23], $0x1  }
0xa3: {  	[sflag:s23] =	ssyncset.done $0x0  }
0xa4: {  	s25 =	simm.s32 $0x1B8E;
	s24 =	sld [smem:$0x3FFE];
	[sflag:s23] =	ssyncadd.s32 $0xFFFFFFFF  }
0xa5: {  	s26 =	simm.s32 $execute0_lowered;
	[smem:$0x3FD2] =	sst s25  }
0xa6: {  	s5 =	sshll.u32 s26, $0x1;
	_ =	strace $0x80000046;
	[dreg:$0x1] =	wrdreg $0xFFFFFFFF  }
0xa7: {  	s28 =	simm.s32 $_size_execute0_lowered;
	s3 =	sadd.s32 s3, s5;
	[dreg:$0x0] =	wrdreg $0x0  }
0xa8: {  	s5 =	sshll.u32 s28, $0x1;
	[dreg:$0x2] =	wrdreg s3  }
0xa9: {  	[dreg:$0x3] =	wrdreg s5  }
0xaa: {  	[dreg:$0x4] =	wrdreg $0xC0  }
0xab: {  	_ =	task [dreg:s7], $0x5FFFF  }
0xac: {  	[dreg:$0x1] =	wrdreg $0xFFFFFFFF  }
0xad: {  	[dreg:$0x0] =	wrdreg $0x60  }
0xae: {  	[dreg:$0x2] =	wrdreg s24  }
0xaf: {  	[dreg:$0x3] =	wrdreg s2  }
0xb0: {  	[dreg:$0x4] =	wrdreg $0x9  }
0xb1: {  	_ =	task.clear_ibuf [dreg:s7], $0x5FFFF;
	_ =	strace $0x90000046  }
0xb2: {  	s29 =	simm.s32 $0x9;
	_ =	strace $0x80000048  }
0xb3: {  	_ =	swait.ge [sflag:s29], $0x1  }
0xb4: {  	[sflag:s29] =	ssyncadd.s32 $0xFFFFFFFF  }
0xb5: {  	_ =	strace $0x90000048  }
0xb6: {  	_ =	sfence  }
0xb7: {  	s30 =	sld [smem:$0x0];
	_ =	sdelay $0x2  }
0xb8: {  	s31 =	sshll.u32 s1, $0xD;
	s1 =	sshrl.u32 s1, $0x2  }
0xb9: {  	s3 =	sand.u32 $0x4000, s31;
	s1 =	sadd.s32 s1, s30  }
0xba: {  	s0 =	sor.u32 s3, s0;
	s1 =	sshll.u32 s1, $0x11  }
0xbb: {  	s0 =	sor.u32 s1, s0  }
0xbc: {  	s0 =	sadd.s32 $0x8F2B, s0  }
0xbd: {  	[sflag:s0] =	ssyncadd.remote.s32 $0x1  }
0xbe: {  	_ =	sfence.sel $0xFFFF  }
0xbf: {  	[dreg:$0x0] =	wrdreg $0xFFFFFFFF;
	(pc) =	sbr.abs _section_cstart, $3  }
0xc0: {  	[dreg:$0x1] =	wrdreg $0xFFFFFFFF  }
0xc1: {  	_ =	task.clear_ibuf [dreg:s7], $0x2FFFF;
	_ =	strace $0x9FFFFFFF  }
0xc2: {  	(tm) =	ssettm $0x7FFFFFFF  }
0xc3: {  	_ =	shalt  }
tec
execute0_lowered:
.L_overlay_start_1:
0x0: {  	(tag) =	ssettag $0x1  }
0x1: {  	s0 =	srdreg.scid  }
0x2: {  	s12 =	stileid.u32;
	s0 =	sand.u32 $0x1, s0  }
0x3: {  	s3 =	sshll.u32 s12, $0xA;
	s4 =	sshll.u32 s0, $0x9  }
0x4: {  	s3 =	sor.u32 s4, s3  }
0x5: {  	s1 =	rddreg [dreg:$0x0];
	s4 =	sshrl.u32 s3, $0x3;
	s3 =	smul.u32 $0x68, s3  }
0x6: {  	s2 =	rddreg [dreg:$0x1];
	s28 =	simm.s32 $0x0;
	s4 =	sadd.s32 s4, s1  }
0x7: {  	[smem:$0x7FF] =	sst s28;
	s4 =	sadd.s32 $0xA00, s4;
	s29 =	sadd.s32 s2, s3  }
0x8: {  	_ =	strace $0x80000047;
	[dreg:$0x3] =	wrdreg s4;
	s2 =	sadd.s32 $0x4, s29  }
0x9: {  	s17 =	sadd.s32 $0x8, s29;
	[dreg:$0x4] =	wrdreg s2  }
0xa: {  	s18 =	sadd.s32 $0xC, s29;
	[dreg:$0x5] =	wrdreg s17  }
0xb: {  	s19 =	sadd.s32 $0x10, s29;
	[dreg:$0x6] =	wrdreg s18  }
0xc: {  	s20 =	sadd.s32 $0x14, s29;
	[dreg:$0x7] =	wrdreg s19  }
0xd: {  	s21 =	sadd.s32 $0x18, s29;
	[dreg:$0x8] =	wrdreg s20  }
0xe: {  	s22 =	sadd.s32 $0x1C, s29;
	[dreg:$0x9] =	wrdreg s21  }
0xf: {  	s23 =	sadd.s32 $0x20, s29;
	[dreg:$0xa] =	wrdreg s22  }
0x10: {  	s24 =	sadd.s32 $0x24, s29;
	[dreg:$0xb] =	wrdreg s23  }
0x11: {  	s25 =	sadd.s32 $0x28, s29;
	[dreg:$0xc] =	wrdreg s24  }
0x12: {  	s26 =	sadd.s32 $0x2C, s29;
	[dreg:$0xd] =	wrdreg s25  }
0x13: {  	s3 =	sadd.s32 $0x30, s29;
	[dreg:$0xe] =	wrdreg s26  }
0x14: {  	s4 =	sadd.s32 $0x34, s29;
	[dreg:$0xf] =	wrdreg s3  }
0x15: {  	s31 =	simm.s32 $0x5;
	s5 =	sadd.s32 $0x38, s29;
	[dreg:$0x10] =	wrdreg s4  }
0x16: {  	s30 =	simm.s32 $0x1600;
	s6 =	sadd.s32 $0x3C, s29;
	[dreg:$0x11] =	wrdreg s5  }
0x17: {  	p0 =	por $0x0, $0x0;
	s7 =	sadd.s32 $0x40, s29;
	[dreg:$0x12] =	wrdreg s6  }
0x18: {  	s0 =	ssub.s32 $0x2, s0;
	s8 =	sadd.s32 $0x44, s29;
	[dreg:$0x13] =	wrdreg s7  }
0x19: {  	s16 =	sshrl.u32 s0, $0x1;
	s9 =	sadd.s32 $0x48, s29;
	[dreg:$0x14] =	wrdreg s8  }
0x1a: {  	s0 =	ssub.s32 s0, s16;
	s10 =	sadd.s32 $0x4C, s29;
	[dreg:$0x15] =	wrdreg s9  }
0x1b: {  	s16 =	simm.s32 $0x2C00;
	s11 =	sadd.s32 $0x50, s29;
	[dreg:$0x16] =	wrdreg s10  }
0x1c: {  	s0 =	smax.u32 s0, $0x1;
	s13 =	sadd.s32 $0x54, s29;
	[dreg:$0x17] =	wrdreg s11  }
0x1d: {  	p1 =	sne.s32 s0, $0x1;
	s14 =	sadd.s32 $0x5C, s29;
	[dreg:$0x18] =	wrdreg s13  }
0x1e: {  	s15 =	sadd.s32 $0x60, s29;
	s3 =	sadd.s32 $0x58, s29;
	[dreg:$0x1a] =	wrdreg s14  }
0x1f: {  	s2 =	sadd.s32 $0xF42E00, s1;
	[dreg:$0x1b] =	wrdreg s15;
	s17 =	sadd.s32 $0x64, s29  }
0x20: {  	s18 =	simm.s32 $0x4000;
	s1 =	sadd.s32 $0xFFFFFFFF, s0;
	s0 =	rddreg [dreg:$0x3]  }
0x21: {  	s6 =	simm.s32 $0x200;
	s4 =	simm.s32 $0x3400;
	[dreg:$0x19] =	wrdreg s3  }
0x22: {  	s19 =	simm.s32 $0x400;
	s20 =	simm.s32 $0x600;
	[dreg:$0x1c] =	wrdreg s17  }
0x23: {  	s8 =	simm.s32 $0x1;
	s21 =	simm.s32 $0x800;
	[dreg:$0x1d] =	wrdreg s18  }
0x24: {  	s5 =	simm.s32 $0x20;
	s22 =	simm.s32 $0xA00;
	[dreg:$0x1e] =	wrdreg s19  }
0x25: {  	s7 =	simm.s32 $0x340;
	s23 =	simm.s32 $0xC00;
	[dreg:$0x1f] =	wrdreg s20  }
0x26: {  	s11 =	simm.s32 $0x3;
	s24 =	simm.s32 $0xE00;
	[smem:$0x7F8] =	sst s21  }
0x27: {  	s10 =	simm.s32 $0x2;
	s25 =	simm.s32 $0x1000;
	[smem:$0x7F9] =	sst s22  }
0x28: {  	s9 =	simm.s32 $0x4;
	s26 =	simm.s32 $0x1200;
	[smem:$0x7FA] =	sst s23  }
0x29: {  	s15 =	simm.s32 $0x2E00;
	s14 =	simm.s32 $0x3000;
	[smem:$0x7FB] =	sst s24  }
.Ltmp0:
0x2a: {  	s13 =	simm.s32 $0x3200;
	[smem:$0x7FC] =	sst s25;
	(pc) =	sbr.rel @!p1 .LBB2_1-.Ltmp0, $4  }
0x2b: {  	s3 =	simm.s32 $0x7400;
	[smem:$0x7FD] =	sst s26;
	s26 =	simm.s32 $0x1800  }
0x2c: {  	s25 =	simm.s32 $0x1A00;
	s24 =	simm.s32 $0x1C00;
	s23 =	simm.s32 $0x1E00  }
0x2d: {  	s22 =	simm.s32 $0x2000;
	s21 =	simm.s32 $0x2200;
	s20 =	simm.s32 $0x2400  }
0x2e: {  	s19 =	simm.s32 $0x2600;
	s18 =	simm.s32 $0x2800;
	s17 =	simm.s32 $0x2A00  }
0x2f: {  	s12 =	smov.u32 s1;
	s1 =	rddreg [dreg:$0x1d]  }
0x30: {  	[tilespmem:s28], [sflag:$0x5] =	stream.strided.gather [hbm4b:s0+s6], $0x3400, s1, s6, $0x38;
	[tilespmem:$0xB400] =	vst v63  }
0x31: {  	_ =	swait.ge [sflag:s31], $0x3400  }
0x32: {  	[sflag:s31] =	ssyncset.done $0x0  }
0x33: {  	[sflag:s31] =	ssyncadd.s32 $0xFFFFCC00  }
0x34: {  	[tilespmem:s4], [sflag:$0x1] =	stream.indirect.gather [hbm4b:s2+s6], $0x20, s28, s6, $0xb8;
	[tilespmem:$0xB400] =	vst v63  }
0x35: {  	_ = 	snop  }
0x36: {  	[tilespmem:s3], [sflag:$0x2] =	stream.indirect.gather [hbm4b:s2+s6], $0x20, s6, s6, $0xb8;
	[tilespmem:$0xB400] =	vst v63  }
0x37: {  	_ =	swait.ge [sflag:s8], $0x4000  }
0x38: {  	[sflag:s8] =	ssyncset.done $0x0  }
0x39: {  	[sflag:s8] =	ssyncadd.s32 $0xFFFFC000  }
0x3a: {  	[hbm4b:s29+s5] =	stream.strided.scatter [tilespmem:s4], [sflag:$0x3], $0x4000, s7, s5, $0x38;
	[tilespmem:$0xB400] =	vst v63  }
0x3b: {  	_ =	swait.ge [sflag:s11], $0x4000  }
0x3c: {  	[sflag:s11] =	ssyncset.done $0x0  }
0x3d: {  	s1 =	rddreg [dreg:$0x1e];
	[sflag:s11] =	ssyncadd.s32 $0xFFFFC000  }
0x3e: {  	[tilespmem:s4], [sflag:$0x1] =	stream.indirect.gather [hbm4b:s2+s6], $0x20, s1, s6, $0xb8;
	[tilespmem:$0xB400] =	vst v63  }
0x3f: {  	_ =	swait.ge [sflag:s10], $0x4000  }
0x40: {  	[sflag:s10] =	ssyncset.done $0x0  }
0x41: {  	s1 =	rddreg [dreg:$0x4];
	[sflag:s10] =	ssyncadd.s32 $0xFFFFC000  }
0x42: {  	[hbm4b:s1+s5] =	stream.strided.scatter [tilespmem:s3], [sflag:$0x4], $0x4000, s7, s5, $0x38;
	[tilespmem:$0xB400] =	vst v63  }
0x43: {  	_ =	swait.ge [sflag:s9], $0x4000  }
0x44: {  	[sflag:s9] =	ssyncset.done $0x0  }
0x45: {  	s1 =	rddreg [dreg:$0x1f];
	[sflag:s9] =	ssyncadd.s32 $0xFFFFC000  }
0x46: {  	[tilespmem:s3], [sflag:$0x2] =	stream.indirect.gather [hbm4b:s2+s6], $0x20, s1, s6, $0xb8;
	[tilespmem:$0xB400] =	vst v63  }
0x47: {  	_ =	swait.ge [sflag:s8], $0x4000  }
0x48: {  	[sflag:s8] =	ssyncset.done $0x0  }
0x49: {  	s1 =	rddreg [dreg:$0x5];
	[sflag:s8] =	ssyncadd.s32 $0xFFFFC000  }
0x4a: {  	[hbm4b:s1+s5] =	stream.strided.scatter [tilespmem:s4], [sflag:$0x3], $0x4000, s7, s5, $0x38;
	[tilespmem:$0xB400] =	vst v63  }
0x4b: {  	_ =	swait.ge [sflag:s11], $0x4000  }
0x4c: {  	s1 =	sld [smem:$0x7F8]  }
0x4d: {  	[sflag:s11] =	ssyncset.done $0x0  }
0x4e: {  	[sflag:s11] =	ssyncadd.s32 $0xFFFFC000  }
0x4f: {  	[tilespmem:s4], [sflag:$0x1] =	stream.indirect.gather [hbm4b:s2+s6], $0x20, s1, s6, $0xb8;
	[tilespmem:$0xB400] =	vst v63  }
0x50: {  	_ =	swait.ge [sflag:s10], $0x4000  }
0x51: {  	[sflag:s10] =	ssyncset.done $0x0  }
0x52: {  	s1 =	rddreg [dreg:$0x6];
	[sflag:s10] =	ssyncadd.s32 $0xFFFFC000  }
0x53: {  	[hbm4b:s1+s5] =	stream.strided.scatter [tilespmem:s3], [sflag:$0x4], $0x4000, s7, s5, $0x38;
	[tilespmem:$0xB400] =	vst v63  }
0x54: {  	_ =	swait.ge [sflag:s9], $0x4000  }
0x55: {  	s1 =	sld [smem:$0x7F9]  }
0x56: {  	[sflag:s9] =	ssyncset.done $0x0  }
0x57: {  	[sflag:s9] =	ssyncadd.s32 $0xFFFFC000  }
0x58: {  	[tilespmem:s3], [sflag:$0x2] =	stream.indirect.gather [hbm4b:s2+s6], $0x20, s1, s6, $0xb8;
	[tilespmem:$0xB400] =	vst v63  }
0x59: {  	_ =	swait.ge [sflag:s8], $0x4000  }
0x5a: {  	[sflag:s8] =	ssyncset.done $0x0  }
0x5b: {  	s1 =	rddreg [dreg:$0x7];
	[sflag:s8] =	ssyncadd.s32 $0xFFFFC000  }
0x5c: {  	[hbm4b:s1+s5] =	stream.strided.scatter [tilespmem:s4], [sflag:$0x3], $0x4000, s7, s5, $0x38;
	[tilespmem:$0xB400] =	vst v63  }
0x5d: {  	_ =	swait.ge [sflag:s11], $0x4000  }
0x5e: {  	s1 =	sld [smem:$0x7FA]  }
0x5f: {  	[sflag:s11] =	ssyncset.done $0x0  }
0x60: {  	[sflag:s11] =	ssyncadd.s32 $0xFFFFC000  }
0x61: {  	[tilespmem:s4], [sflag:$0x1] =	stream.indirect.gather [hbm4b:s2+s6], $0x20, s1, s6, $0xb8;
	[tilespmem:$0xB400] =	vst v63  }
0x62: {  	_ =	swait.ge [sflag:s10], $0x4000  }
0x63: {  	[sflag:s10] =	ssyncset.done $0x0  }
0x64: {  	s1 =	rddreg [dreg:$0x8];
	[sflag:s10] =	ssyncadd.s32 $0xFFFFC000  }
0x65: {  	[hbm4b:s1+s5] =	stream.strided.scatter [tilespmem:s3], [sflag:$0x4], $0x4000, s7, s5, $0x38;
	[tilespmem:$0xB400] =	vst v63  }
0x66: {  	_ =	swait.ge [sflag:s9], $0x4000  }
0x67: {  	s1 =	sld [smem:$0x7FB]  }
0x68: {  	[sflag:s9] =	ssyncset.done $0x0  }
0x69: {  	[sflag:s9] =	ssyncadd.s32 $0xFFFFC000  }
0x6a: {  	[tilespmem:s3], [sflag:$0x2] =	stream.indirect.gather [hbm4b:s2+s6], $0x20, s1, s6, $0xb8;
	[tilespmem:$0xB400] =	vst v63  }
0x6b: {  	_ =	swait.ge [sflag:s8], $0x4000  }
0x6c: {  	[sflag:s8] =	ssyncset.done $0x0  }
0x6d: {  	s1 =	rddreg [dreg:$0x9];
	[sflag:s8] =	ssyncadd.s32 $0xFFFFC000  }
0x6e: {  	[hbm4b:s1+s5] =	stream.strided.scatter [tilespmem:s4], [sflag:$0x3], $0x4000, s7, s5, $0x38;
	[tilespmem:$0xB400] =	vst v63  }
0x6f: {  	_ =	swait.ge [sflag:s11], $0x4000  }
0x70: {  	s1 =	sld [smem:$0x7FC]  }
0x71: {  	[sflag:s11] =	ssyncset.done $0x0  }
0x72: {  	[sflag:s11] =	ssyncadd.s32 $0xFFFFC000  }
0x73: {  	[tilespmem:s4], [sflag:$0x1] =	stream.indirect.gather [hbm4b:s2+s6], $0x20, s1, s6, $0xb8;
	[tilespmem:$0xB400] =	vst v63  }
0x74: {  	_ =	swait.ge [sflag:s10], $0x4000  }
0x75: {  	[sflag:s10] =	ssyncset.done $0x0  }
0x76: {  	s1 =	rddreg [dreg:$0xa];
	[sflag:s10] =	ssyncadd.s32 $0xFFFFC000  }
0x77: {  	[hbm4b:s1+s5] =	stream.strided.scatter [tilespmem:s3], [sflag:$0x4], $0x4000, s7, s5, $0x38;
	[tilespmem:$0xB400] =	vst v63  }
0x78: {  	_ =	swait.ge [sflag:s9], $0x4000  }
0x79: {  	s1 =	sld [smem:$0x7FD]  }
0x7a: {  	[sflag:s9] =	ssyncset.done $0x0  }
0x7b: {  	[sflag:s9] =	ssyncadd.s32 $0xFFFFC000  }
0x7c: {  	[tilespmem:s3], [sflag:$0x2] =	stream.indirect.gather [hbm4b:s2+s6], $0x20, s1, s6, $0xb8;
	[tilespmem:$0xB400] =	vst v63  }
0x7d: {  	_ =	swait.ge [sflag:s8], $0x4000  }
0x7e: {  	[sflag:s8] =	ssyncset.done $0x0  }
0x7f: {  	s1 =	rddreg [dreg:$0xb];
	[sflag:s8] =	ssyncadd.s32 $0xFFFFC000  }
0x80: {  	[hbm4b:s1+s5] =	stream.strided.scatter [tilespmem:s4], [sflag:$0x3], $0x4000, s7, s5, $0x38;
	[tilespmem:$0xB400] =	vst v63  }
0x81: {  	_ =	swait.ge [sflag:s11], $0x4000  }
0x82: {  	[sflag:s11] =	ssyncset.done $0x0  }
0x83: {  	s1 =	simm.s32 $0x1400;
	[sflag:s11] =	ssyncadd.s32 $0xFFFFC000  }
0x84: {  	[tilespmem:s4], [sflag:$0x1] =	stream.indirect.gather [hbm4b:s2+s6], $0x20, s1, s6, $0xb8;
	[tilespmem:$0xB400] =	vst v63  }
0x85: {  	_ =	swait.ge [sflag:s10], $0x4000  }
0x86: {  	[sflag:s10] =	ssyncset.done $0x0  }
0x87: {  	s1 =	rddreg [dreg:$0xc];
	[sflag:s10] =	ssyncadd.s32 $0xFFFFC000  }
0x88: {  	[hbm4b:s1+s5] =	stream.strided.scatter [tilespmem:s3], [sflag:$0x4], $0x4000, s7, s5, $0x38;
	[tilespmem:$0xB400] =	vst v63  }
0x89: {  	_ =	swait.ge [sflag:s9], $0x4000  }
0x8a: {  	[sflag:s9] =	ssyncset.done $0x0  }
0x8b: {  	[sflag:s9] =	ssyncadd.s32 $0xFFFFC000  }
0x8c: {  	[tilespmem:s3], [sflag:$0x2] =	stream.indirect.gather [hbm4b:s2+s6], $0x20, s30, s6, $0xb8;
	[tilespmem:$0xB400] =	vst v63  }
0x8d: {  	_ =	swait.ge [sflag:s8], $0x4000  }
0x8e: {  	[sflag:s8] =	ssyncset.done $0x0  }
0x8f: {  	s1 =	rddreg [dreg:$0xd];
	[sflag:s8] =	ssyncadd.s32 $0xFFFFC000  }
0x90: {  	[hbm4b:s1+s5] =	stream.strided.scatter [tilespmem:s4], [sflag:$0x3], $0x4000, s7, s5, $0x38;
	[tilespmem:$0xB400] =	vst v63  }
0x91: {  	_ =	swait.ge [sflag:s11], $0x4000  }
0x92: {  	[sflag:s11] =	ssyncset.done $0x0  }
0x93: {  	[sflag:s11] =	ssyncadd.s32 $0xFFFFC000  }
0x94: {  	[tilespmem:s4], [sflag:$0x1] =	stream.indirect.gather [hbm4b:s2+s6], $0x20, s26, s6, $0xb8;
	[tilespmem:$0xB400] =	vst v63  }
0x95: {  	_ =	swait.ge [sflag:s10], $0x4000  }
0x96: {  	[sflag:s10] =	ssyncset.done $0x0  }
0x97: {  	s1 =	rddreg [dreg:$0xe];
	[sflag:s10] =	ssyncadd.s32 $0xFFFFC000  }
0x98: {  	[hbm4b:s1+s5] =	stream.strided.scatter [tilespmem:s3], [sflag:$0x4], $0x4000, s7, s5, $0x38;
	[tilespmem:$0xB400] =	vst v63  }
0x99: {  	_ =	swait.ge [sflag:s9], $0x4000  }
0x9a: {  	[sflag:s9] =	ssyncset.done $0x0  }
0x9b: {  	[sflag:s9] =	ssyncadd.s32 $0xFFFFC000  }
0x9c: {  	[tilespmem:s3], [sflag:$0x2] =	stream.indirect.gather [hbm4b:s2+s6], $0x20, s25, s6, $0xb8;
	[tilespmem:$0xB400] =	vst v63  }
0x9d: {  	_ =	swait.ge [sflag:s8], $0x4000  }
0x9e: {  	[sflag:s8] =	ssyncset.done $0x0  }
0x9f: {  	s1 =	rddreg [dreg:$0xf];
	[sflag:s8] =	ssyncadd.s32 $0xFFFFC000  }
0xa0: {  	[hbm4b:s1+s5] =	stream.strided.scatter [tilespmem:s4], [sflag:$0x3], $0x4000, s7, s5, $0x38;
	[tilespmem:$0xB400] =	vst v63  }
0xa1: {  	_ =	swait.ge [sflag:s11], $0x4000  }
0xa2: {  	[sflag:s11] =	ssyncset.done $0x0  }
0xa3: {  	[sflag:s11] =	ssyncadd.s32 $0xFFFFC000  }
0xa4: {  	[tilespmem:s4], [sflag:$0x1] =	stream.indirect.gather [hbm4b:s2+s6], $0x20, s24, s6, $0xb8;
	[tilespmem:$0xB400] =	vst v63  }
0xa5: {  	_ =	swait.ge [sflag:s10], $0x4000  }
0xa6: {  	[sflag:s10] =	ssyncset.done $0x0  }
0xa7: {  	s1 =	rddreg [dreg:$0x10];
	[sflag:s10] =	ssyncadd.s32 $0xFFFFC000  }
0xa8: {  	[hbm4b:s1+s5] =	stream.strided.scatter [tilespmem:s3], [sflag:$0x4], $0x4000, s7, s5, $0x38;
	[tilespmem:$0xB400] =	vst v63  }
0xa9: {  	_ =	swait.ge [sflag:s9], $0x4000  }
0xaa: {  	[sflag:s9] =	ssyncset.done $0x0  }
0xab: {  	[sflag:s9] =	ssyncadd.s32 $0xFFFFC000  }
0xac: {  	[tilespmem:s3], [sflag:$0x2] =	stream.indirect.gather [hbm4b:s2+s6], $0x20, s23, s6, $0xb8;
	[tilespmem:$0xB400] =	vst v63  }
0xad: {  	_ =	swait.ge [sflag:s8], $0x4000  }
0xae: {  	[sflag:s8] =	ssyncset.done $0x0  }
0xaf: {  	s1 =	rddreg [dreg:$0x11];
	[sflag:s8] =	ssyncadd.s32 $0xFFFFC000  }
0xb0: {  	[hbm4b:s1+s5] =	stream.strided.scatter [tilespmem:s4], [sflag:$0x3], $0x4000, s7, s5, $0x38;
	[tilespmem:$0xB400] =	vst v63  }
0xb1: {  	_ =	swait.ge [sflag:s11], $0x4000  }
0xb2: {  	[sflag:s11] =	ssyncset.done $0x0  }
0xb3: {  	[sflag:s11] =	ssyncadd.s32 $0xFFFFC000  }
0xb4: {  	[tilespmem:s4], [sflag:$0x1] =	stream.indirect.gather [hbm4b:s2+s6], $0x20, s22, s6, $0xb8;
	[tilespmem:$0xB400] =	vst v63  }
0xb5: {  	_ =	swait.ge [sflag:s10], $0x4000  }
0xb6: {  	[sflag:s10] =	ssyncset.done $0x0  }
0xb7: {  	s1 =	rddreg [dreg:$0x12];
	[sflag:s10] =	ssyncadd.s32 $0xFFFFC000  }
0xb8: {  	[hbm4b:s1+s5] =	stream.strided.scatter [tilespmem:s3], [sflag:$0x4], $0x4000, s7, s5, $0x38;
	[tilespmem:$0xB400] =	vst v63  }
0xb9: {  	_ =	swait.ge [sflag:s9], $0x4000  }
0xba: {  	[sflag:s9] =	ssyncset.done $0x0  }
0xbb: {  	[sflag:s9] =	ssyncadd.s32 $0xFFFFC000  }
0xbc: {  	[tilespmem:s3], [sflag:$0x2] =	stream.indirect.gather [hbm4b:s2+s6], $0x20, s21, s6, $0xb8;
	[tilespmem:$0xB400] =	vst v63  }
0xbd: {  	_ =	swait.ge [sflag:s8], $0x4000  }
0xbe: {  	[sflag:s8] =	ssyncset.done $0x0  }
0xbf: {  	s1 =	rddreg [dreg:$0x13];
	[sflag:s8] =	ssyncadd.s32 $0xFFFFC000  }
0xc0: {  	[hbm4b:s1+s5] =	stream.strided.scatter [tilespmem:s4], [sflag:$0x3], $0x4000, s7, s5, $0x38;
	[tilespmem:$0xB400] =	vst v63  }
0xc1: {  	_ =	swait.ge [sflag:s11], $0x4000  }
0xc2: {  	[sflag:s11] =	ssyncset.done $0x0  }
0xc3: {  	[sflag:s11] =	ssyncadd.s32 $0xFFFFC000  }
0xc4: {  	[tilespmem:s4], [sflag:$0x1] =	stream.indirect.gather [hbm4b:s2+s6], $0x20, s20, s6, $0xb8;
	[tilespmem:$0xB400] =	vst v63  }
0xc5: {  	_ =	swait.ge [sflag:s10], $0x4000  }
0xc6: {  	[sflag:s10] =	ssyncset.done $0x0  }
0xc7: {  	s1 =	rddreg [dreg:$0x14];
	[sflag:s10] =	ssyncadd.s32 $0xFFFFC000  }
0xc8: {  	[hbm4b:s1+s5] =	stream.strided.scatter [tilespmem:s3], [sflag:$0x4], $0x4000, s7, s5, $0x38;
	[tilespmem:$0xB400] =	vst v63  }
0xc9: {  	_ =	swait.ge [sflag:s9], $0x4000  }
0xca: {  	[sflag:s9] =	ssyncset.done $0x0  }
0xcb: {  	[sflag:s9] =	ssyncadd.s32 $0xFFFFC000  }
0xcc: {  	[tilespmem:s3], [sflag:$0x2] =	stream.indirect.gather [hbm4b:s2+s6], $0x20, s19, s6, $0xb8;
	[tilespmem:$0xB400] =	vst v63  }
0xcd: {  	_ =	swait.ge [sflag:s8], $0x4000  }
0xce: {  	[sflag:s8] =	ssyncset.done $0x0  }
0xcf: {  	s1 =	rddreg [dreg:$0x15];
	[sflag:s8] =	ssyncadd.s32 $0xFFFFC000  }
0xd0: {  	[hbm4b:s1+s5] =	stream.strided.scatter [tilespmem:s4], [sflag:$0x3], $0x4000, s7, s5, $0x38;
	[tilespmem:$0xB400] =	vst v63  }
0xd1: {  	_ =	swait.ge [sflag:s11], $0x4000  }
0xd2: {  	[sflag:s11] =	ssyncset.done $0x0  }
0xd3: {  	[sflag:s11] =	ssyncadd.s32 $0xFFFFC000  }
0xd4: {  	[tilespmem:s4], [sflag:$0x1] =	stream.indirect.gather [hbm4b:s2+s6], $0x20, s18, s6, $0xb8;
	[tilespmem:$0xB400] =	vst v63  }
0xd5: {  	_ =	swait.ge [sflag:s10], $0x4000  }
0xd6: {  	[sflag:s10] =	ssyncset.done $0x0  }
0xd7: {  	s1 =	rddreg [dreg:$0x16];
	[sflag:s10] =	ssyncadd.s32 $0xFFFFC000  }
0xd8: {  	[hbm4b:s1+s5] =	stream.strided.scatter [tilespmem:s3], [sflag:$0x4], $0x4000, s7, s5, $0x38;
	[tilespmem:$0xB400] =	vst v63  }
0xd9: {  	_ =	swait.ge [sflag:s9], $0x4000  }
0xda: {  	[sflag:s9] =	ssyncset.done $0x0  }
0xdb: {  	[sflag:s9] =	ssyncadd.s32 $0xFFFFC000  }
0xdc: {  	[tilespmem:s3], [sflag:$0x2] =	stream.indirect.gather [hbm4b:s2+s6], $0x20, s17, s6, $0xb8;
	[tilespmem:$0xB400] =	vst v63  }
0xdd: {  	_ =	swait.ge [sflag:s8], $0x4000  }
0xde: {  	[sflag:s8] =	ssyncset.done $0x0  }
0xdf: {  	s1 =	rddreg [dreg:$0x17];
	[sflag:s8] =	ssyncadd.s32 $0xFFFFC000  }
0xe0: {  	[hbm4b:s1+s5] =	stream.strided.scatter [tilespmem:s4], [sflag:$0x3], $0x4000, s7, s5, $0x38;
	[tilespmem:$0xB400] =	vst v63  }
0xe1: {  	_ =	swait.ge [sflag:s11], $0x4000  }
0xe2: {  	[sflag:s11] =	ssyncset.done $0x0  }
0xe3: {  	[sflag:s11] =	ssyncadd.s32 $0xFFFFC000  }
0xe4: {  	[tilespmem:s4], [sflag:$0x1] =	stream.indirect.gather [hbm4b:s2+s6], $0x20, s16, s6, $0xb8;
	[tilespmem:$0xB400] =	vst v63  }
0xe5: {  	_ =	swait.ge [sflag:s10], $0x4000  }
0xe6: {  	[sflag:s10] =	ssyncset.done $0x0  }
0xe7: {  	s1 =	rddreg [dreg:$0x18];
	[sflag:s10] =	ssyncadd.s32 $0xFFFFC000  }
0xe8: {  	[hbm4b:s1+s5] =	stream.strided.scatter [tilespmem:s3], [sflag:$0x4], $0x4000, s7, s5, $0x38;
	[tilespmem:$0xB400] =	vst v63  }
0xe9: {  	_ =	swait.ge [sflag:s9], $0x4000  }
0xea: {  	[sflag:s9] =	ssyncset.done $0x0  }
0xeb: {  	[sflag:s9] =	ssyncadd.s32 $0xFFFFC000  }
0xec: {  	[tilespmem:s3], [sflag:$0x2] =	stream.indirect.gather [hbm4b:s2+s6], $0x20, s15, s6, $0xb8;
	[tilespmem:$0xB400] =	vst v63  }
0xed: {  	_ =	swait.ge [sflag:s8], $0x4000  }
0xee: {  	[sflag:s8] =	ssyncset.done $0x0  }
0xef: {  	s1 =	rddreg [dreg:$0x19];
	[sflag:s8] =	ssyncadd.s32 $0xFFFFC000  }
0xf0: {  	[hbm4b:s1+s5] =	stream.strided.scatter [tilespmem:s4], [sflag:$0x3], $0x4000, s7, s5, $0x38;
	[tilespmem:$0xB400] =	vst v63  }
0xf1: {  	_ =	swait.ge [sflag:s11], $0x4000  }
0xf2: {  	[sflag:s11] =	ssyncset.done $0x0  }
0xf3: {  	[sflag:s11] =	ssyncadd.s32 $0xFFFFC000  }
0xf4: {  	[tilespmem:s4], [sflag:$0x1] =	stream.indirect.gather [hbm4b:s2+s6], $0x20, s14, s6, $0xb8;
	[tilespmem:$0xB400] =	vst v63  }
0xf5: {  	_ =	swait.ge [sflag:s10], $0x4000  }
0xf6: {  	[sflag:s10] =	ssyncset.done $0x0  }
0xf7: {  	s1 =	rddreg [dreg:$0x1a];
	[sflag:s10] =	ssyncadd.s32 $0xFFFFC000  }
0xf8: {  	[hbm4b:s1+s5] =	stream.strided.scatter [tilespmem:s3], [sflag:$0x4], $0x4000, s7, s5, $0x38;
	[tilespmem:$0xB400] =	vst v63  }
0xf9: {  	_ =	swait.ge [sflag:s9], $0x4000  }
0xfa: {  	[sflag:s9] =	ssyncset.done $0x0  }
0xfb: {  	[sflag:s9] =	ssyncadd.s32 $0xFFFFC000  }
0xfc: {  	[tilespmem:s3], [sflag:$0x2] =	stream.indirect.gather [hbm4b:s2+s6], $0x20, s13, s6, $0xb8;
	[tilespmem:$0xB400] =	vst v63  }
0xfd: {  	_ =	swait.ge [sflag:s8], $0x4000  }
0xfe: {  	[sflag:s8] =	ssyncset.done $0x0  }
0xff: {  	s1 =	rddreg [dreg:$0x1b];
	[sflag:s8] =	ssyncadd.s32 $0xFFFFC000  }
0x100: {  	[hbm4b:s1+s5] =	stream.strided.scatter [tilespmem:s4], [sflag:$0x3], $0x4000, s7, s5, $0x38;
	[tilespmem:$0xB400] =	vst v63  }
0x101: {  	_ =	swait.ge [sflag:s11], $0x4000  }
0x102: {  	[sflag:s11] =	ssyncset.done $0x0  }
0x103: {  	[sflag:s11] =	ssyncadd.s32 $0xFFFFC000  }
0x104: {  	p1 =	sne.s32 s12, $0x1;
	_ =	swait.ge [sflag:s10], $0x4000  }
.Ltmp1:
0x105: {  	[sflag:s10] =	ssyncset.done $0x0;
	(pc) =	sbr.rel @!p1 .LBB2_3-.Ltmp1, $4  }
0x106: {  	s1 =	rddreg [dreg:$0x1c];
	[sflag:s10] =	ssyncadd.s32 $0xFFFFC000  }
0x107: {  	[hbm4b:s1+s5] =	stream.strided.scatter [tilespmem:s3], [sflag:$0x4], $0x4000, s7, s5, $0x38;
	[tilespmem:$0xB400] =	vst v63  }
0x108: {  	p0 =	por $0x1, $0x1;
	_ =	swait.ge [sflag:s9], $0x4000  }
0x109: {  	s1 =	sadd.s32 $0xFFFFFFFF, s12;
	s0 =	rddreg [dreg:$0x3];
	[sflag:s9] =	ssyncset.done $0x0  }
.LBB2_4:
0x10a: {  	s12 =	rddreg [dreg:$0x1d];
	[sflag:s9] =	ssyncadd.s32 $0xFFFFC000  }
0x10b: {  	[tilespmem:s28], [sflag:$0x5] =	stream.strided.gather [hbm4b:s0+s6], $0x3400, s12, s6, $0x38;
	[tilespmem:$0xB400] =	vst v63  }
0x10c: {  	_ =	swait.ge [sflag:s31], $0x3400  }
0x10d: {  	[sflag:s31] =	ssyncset.done $0x0  }
0x10e: {  	[sflag:s31] =	ssyncadd.s32 $0xFFFFCC00  }
0x10f: {  	[tilespmem:s4], [sflag:$0x1] =	stream.indirect.gather [hbm4b:s2+s6], $0x20, s28, s6, $0xb8;
	[tilespmem:$0xB400] =	vst v63  }
0x110: {  	_ = 	snop  }
0x111: {  	[tilespmem:s3], [sflag:$0x2] =	stream.indirect.gather [hbm4b:s2+s6], $0x20, s6, s6, $0xb8;
	[tilespmem:$0xB400] =	vst v63  }
0x112: {  	_ =	swait.ge [sflag:s8], $0x4000  }
0x113: {  	[sflag:s8] =	ssyncset.done $0x0  }
0x114: {  	[sflag:s8] =	ssyncadd.s32 $0xFFFFC000  }
0x115: {  	[hbm4b:s29+s5] =	stream.strided.scatter [tilespmem:s4], [sflag:$0x3], $0x4000, s7, s5, $0x38;
	[tilespmem:$0xB400] =	vst v63  }
0x116: {  	_ =	swait.ge [sflag:s11], $0x4000  }
0x117: {  	[sflag:s11] =	ssyncset.done $0x0  }
0x118: {  	s12 =	rddreg [dreg:$0x1e];
	[sflag:s11] =	ssyncadd.s32 $0xFFFFC000  }
0x119: {  	[tilespmem:s4], [sflag:$0x1] =	stream.indirect.gather [hbm4b:s2+s6], $0x20, s12, s6, $0xb8;
	[tilespmem:$0xB400] =	vst v63  }
0x11a: {  	_ =	swait.ge [sflag:s10], $0x4000  }
0x11b: {  	[sflag:s10] =	ssyncset.done $0x0  }
0x11c: {  	s12 =	rddreg [dreg:$0x4];
	[sflag:s10] =	ssyncadd.s32 $0xFFFFC000  }
0x11d: {  	[hbm4b:s12+s5] =	stream.strided.scatter [tilespmem:s3], [sflag:$0x4], $0x4000, s7, s5, $0x38;
	[tilespmem:$0xB400] =	vst v63  }
0x11e: {  	_ =	swait.ge [sflag:s9], $0x4000  }
0x11f: {  	[sflag:s9] =	ssyncset.done $0x0  }
0x120: {  	s12 =	rddreg [dreg:$0x1f];
	[sflag:s9] =	ssyncadd.s32 $0xFFFFC000  }
0x121: {  	[tilespmem:s3], [sflag:$0x2] =	stream.indirect.gather [hbm4b:s2+s6], $0x20, s12, s6, $0xb8;
	[tilespmem:$0xB400] =	vst v63  }
0x122: {  	_ =	swait.ge [sflag:s8], $0x4000  }
0x123: {  	[sflag:s8] =	ssyncset.done $0x0  }
0x124: {  	s12 =	rddreg [dreg:$0x5];
	[sflag:s8] =	ssyncadd.s32 $0xFFFFC000  }
0x125: {  	[hbm4b:s12+s5] =	stream.strided.scatter [tilespmem:s4], [sflag:$0x3], $0x4000, s7, s5, $0x38;
	[tilespmem:$0xB400] =	vst v63  }
0x126: {  	_ =	swait.ge [sflag:s11], $0x4000  }
0x127: {  	s12 =	sld [smem:$0x7F8]  }
0x128: {  	[sflag:s11] =	ssyncset.done $0x0  }
0x129: {  	[sflag:s11] =	ssyncadd.s32 $0xFFFFC000  }
0x12a: {  	[tilespmem:s4], [sflag:$0x1] =	stream.indirect.gather [hbm4b:s2+s6], $0x20, s12, s6, $0xb8;
	[tilespmem:$0xB400] =	vst v63  }
0x12b: {  	_ =	swait.ge [sflag:s10], $0x4000  }
0x12c: {  	[sflag:s10] =	ssyncset.done $0x0  }
0x12d: {  	s12 =	rddreg [dreg:$0x6];
	[sflag:s10] =	ssyncadd.s32 $0xFFFFC000  }
0x12e: {  	[hbm4b:s12+s5] =	stream.strided.scatter [tilespmem:s3], [sflag:$0x4], $0x4000, s7, s5, $0x38;
	[tilespmem:$0xB400] =	vst v63  }
0x12f: {  	_ =	swait.ge [sflag:s9], $0x4000  }
0x130: {  	s12 =	sld [smem:$0x7F9]  }
0x131: {  	[sflag:s9] =	ssyncset.done $0x0  }
0x132: {  	[sflag:s9] =	ssyncadd.s32 $0xFFFFC000  }
0x133: {  	[tilespmem:s3], [sflag:$0x2] =	stream.indirect.gather [hbm4b:s2+s6], $0x20, s12, s6, $0xb8;
	[tilespmem:$0xB400] =	vst v63  }
0x134: {  	_ =	swait.ge [sflag:s8], $0x4000  }
0x135: {  	[sflag:s8] =	ssyncset.done $0x0  }
0x136: {  	s12 =	rddreg [dreg:$0x7];
	[sflag:s8] =	ssyncadd.s32 $0xFFFFC000  }
0x137: {  	[hbm4b:s12+s5] =	stream.strided.scatter [tilespmem:s4], [sflag:$0x3], $0x4000, s7, s5, $0x38;
	[tilespmem:$0xB400] =	vst v63  }
0x138: {  	_ =	swait.ge [sflag:s11], $0x4000  }
0x139: {  	s12 =	sld [smem:$0x7FA]  }
0x13a: {  	[sflag:s11] =	ssyncset.done $0x0  }
0x13b: {  	[sflag:s11] =	ssyncadd.s32 $0xFFFFC000  }
0x13c: {  	[tilespmem:s4], [sflag:$0x1] =	stream.indirect.gather [hbm4b:s2+s6], $0x20, s12, s6, $0xb8;
	[tilespmem:$0xB400] =	vst v63  }
0x13d: {  	_ =	swait.ge [sflag:s10], $0x4000  }
0x13e: {  	[sflag:s10] =	ssyncset.done $0x0  }
0x13f: {  	s12 =	rddreg [dreg:$0x8];
	[sflag:s10] =	ssyncadd.s32 $0xFFFFC000  }
0x140: {  	[hbm4b:s12+s5] =	stream.strided.scatter [tilespmem:s3], [sflag:$0x4], $0x4000, s7, s5, $0x38;
	[tilespmem:$0xB400] =	vst v63  }
0x141: {  	_ =	swait.ge [sflag:s9], $0x4000  }
0x142: {  	s12 =	sld [smem:$0x7FB]  }
0x143: {  	[sflag:s9] =	ssyncset.done $0x0  }
0x144: {  	[sflag:s9] =	ssyncadd.s32 $0xFFFFC000  }
0x145: {  	[tilespmem:s3], [sflag:$0x2] =	stream.indirect.gather [hbm4b:s2+s6], $0x20, s12, s6, $0xb8;
	[tilespmem:$0xB400] =	vst v63  }
0x146: {  	_ =	swait.ge [sflag:s8], $0x4000  }
0x147: {  	[sflag:s8] =	ssyncset.done $0x0  }
0x148: {  	s12 =	rddreg [dreg:$0x9];
	[sflag:s8] =	ssyncadd.s32 $0xFFFFC000  }
0x149: {  	[hbm4b:s12+s5] =	stream.strided.scatter [tilespmem:s4], [sflag:$0x3], $0x4000, s7, s5, $0x38;
	[tilespmem:$0xB400] =	vst v63  }
0x14a: {  	_ =	swait.ge [sflag:s11], $0x4000  }
0x14b: {  	s12 =	sld [smem:$0x7FC]  }
0x14c: {  	[sflag:s11] =	ssyncset.done $0x0  }
0x14d: {  	[sflag:s11] =	ssyncadd.s32 $0xFFFFC000  }
0x14e: {  	[tilespmem:s4], [sflag:$0x1] =	stream.indirect.gather [hbm4b:s2+s6], $0x20, s12, s6, $0xb8;
	[tilespmem:$0xB400] =	vst v63  }
0x14f: {  	_ =	swait.ge [sflag:s10], $0x4000  }
0x150: {  	[sflag:s10] =	ssyncset.done $0x0  }
0x151: {  	s12 =	rddreg [dreg:$0xa];
	[sflag:s10] =	ssyncadd.s32 $0xFFFFC000  }
0x152: {  	[hbm4b:s12+s5] =	stream.strided.scatter [tilespmem:s3], [sflag:$0x4], $0x4000, s7, s5, $0x38;
	[tilespmem:$0xB400] =	vst v63  }
0x153: {  	_ =	swait.ge [sflag:s9], $0x4000  }
0x154: {  	s12 =	sld [smem:$0x7FD]  }
0x155: {  	[sflag:s9] =	ssyncset.done $0x0  }
0x156: {  	[sflag:s9] =	ssyncadd.s32 $0xFFFFC000  }
0x157: {  	[tilespmem:s3], [sflag:$0x2] =	stream.indirect.gather [hbm4b:s2+s6], $0x20, s12, s6, $0xb8;
	[tilespmem:$0xB400] =	vst v63  }
0x158: {  	_ =	swait.ge [sflag:s8], $0x4000  }
0x159: {  	[sflag:s8] =	ssyncset.done $0x0  }
0x15a: {  	s12 =	rddreg [dreg:$0xb];
	[sflag:s8] =	ssyncadd.s32 $0xFFFFC000  }
0x15b: {  	[hbm4b:s12+s5] =	stream.strided.scatter [tilespmem:s4], [sflag:$0x3], $0x4000, s7, s5, $0x38;
	[tilespmem:$0xB400] =	vst v63  }
0x15c: {  	_ =	swait.ge [sflag:s11], $0x4000  }
0x15d: {  	[sflag:s11] =	ssyncset.done $0x0  }
0x15e: {  	s12 =	simm.s32 $0x1400;
	[sflag:s11] =	ssyncadd.s32 $0xFFFFC000  }
0x15f: {  	[tilespmem:s4], [sflag:$0x1] =	stream.indirect.gather [hbm4b:s2+s6], $0x20, s12, s6, $0xb8;
	[tilespmem:$0xB400] =	vst v63  }
0x160: {  	_ =	swait.ge [sflag:s10], $0x4000  }
0x161: {  	[sflag:s10] =	ssyncset.done $0x0  }
0x162: {  	s12 =	rddreg [dreg:$0xc];
	[sflag:s10] =	ssyncadd.s32 $0xFFFFC000  }
0x163: {  	[hbm4b:s12+s5] =	stream.strided.scatter [tilespmem:s3], [sflag:$0x4], $0x4000, s7, s5, $0x38;
	[tilespmem:$0xB400] =	vst v63  }
0x164: {  	_ =	swait.ge [sflag:s9], $0x4000  }
0x165: {  	[sflag:s9] =	ssyncset.done $0x0  }
0x166: {  	[sflag:s9] =	ssyncadd.s32 $0xFFFFC000  }
0x167: {  	[tilespmem:s3], [sflag:$0x2] =	stream.indirect.gather [hbm4b:s2+s6], $0x20, s30, s6, $0xb8;
	[tilespmem:$0xB400] =	vst v63  }
0x168: {  	_ =	swait.ge [sflag:s8], $0x4000  }
0x169: {  	[sflag:s8] =	ssyncset.done $0x0  }
0x16a: {  	s12 =	rddreg [dreg:$0xd];
	[sflag:s8] =	ssyncadd.s32 $0xFFFFC000  }
0x16b: {  	[hbm4b:s12+s5] =	stream.strided.scatter [tilespmem:s4], [sflag:$0x3], $0x4000, s7, s5, $0x38;
	[tilespmem:$0xB400] =	vst v63  }
0x16c: {  	_ =	swait.ge [sflag:s11], $0x4000  }
0x16d: {  	[sflag:s11] =	ssyncset.done $0x0  }
0x16e: {  	[sflag:s11] =	ssyncadd.s32 $0xFFFFC000  }
0x16f: {  	[tilespmem:s4], [sflag:$0x1] =	stream.indirect.gather [hbm4b:s2+s6], $0x20, s26, s6, $0xb8;
	[tilespmem:$0xB400] =	vst v63  }
0x170: {  	_ =	swait.ge [sflag:s10], $0x4000  }
0x171: {  	[sflag:s10] =	ssyncset.done $0x0  }
0x172: {  	s12 =	rddreg [dreg:$0xe];
	[sflag:s10] =	ssyncadd.s32 $0xFFFFC000  }
0x173: {  	[hbm4b:s12+s5] =	stream.strided.scatter [tilespmem:s3], [sflag:$0x4], $0x4000, s7, s5, $0x38;
	[tilespmem:$0xB400] =	vst v63  }
0x174: {  	_ =	swait.ge [sflag:s9], $0x4000  }
0x175: {  	[sflag:s9] =	ssyncset.done $0x0  }
0x176: {  	[sflag:s9] =	ssyncadd.s32 $0xFFFFC000  }
0x177: {  	[tilespmem:s3], [sflag:$0x2] =	stream.indirect.gather [hbm4b:s2+s6], $0x20, s25, s6, $0xb8;
	[tilespmem:$0xB400] =	vst v63  }
0x178: {  	_ =	swait.ge [sflag:s8], $0x4000  }
0x179: {  	[sflag:s8] =	ssyncset.done $0x0  }
0x17a: {  	s12 =	rddreg [dreg:$0xf];
	[sflag:s8] =	ssyncadd.s32 $0xFFFFC000  }
0x17b: {  	[hbm4b:s12+s5] =	stream.strided.scatter [tilespmem:s4], [sflag:$0x3], $0x4000, s7, s5, $0x38;
	[tilespmem:$0xB400] =	vst v63  }
0x17c: {  	_ =	swait.ge [sflag:s11], $0x4000  }
0x17d: {  	[sflag:s11] =	ssyncset.done $0x0  }
0x17e: {  	[sflag:s11] =	ssyncadd.s32 $0xFFFFC000  }
0x17f: {  	[tilespmem:s4], [sflag:$0x1] =	stream.indirect.gather [hbm4b:s2+s6], $0x20, s24, s6, $0xb8;
	[tilespmem:$0xB400] =	vst v63  }
0x180: {  	_ =	swait.ge [sflag:s10], $0x4000  }
0x181: {  	[sflag:s10] =	ssyncset.done $0x0  }
0x182: {  	s12 =	rddreg [dreg:$0x10];
	[sflag:s10] =	ssyncadd.s32 $0xFFFFC000  }
0x183: {  	[hbm4b:s12+s5] =	stream.strided.scatter [tilespmem:s3], [sflag:$0x4], $0x4000, s7, s5, $0x38;
	[tilespmem:$0xB400] =	vst v63  }
0x184: {  	_ =	swait.ge [sflag:s9], $0x4000  }
0x185: {  	[sflag:s9] =	ssyncset.done $0x0  }
0x186: {  	[sflag:s9] =	ssyncadd.s32 $0xFFFFC000  }
0x187: {  	[tilespmem:s3], [sflag:$0x2] =	stream.indirect.gather [hbm4b:s2+s6], $0x20, s23, s6, $0xb8;
	[tilespmem:$0xB400] =	vst v63  }
0x188: {  	_ =	swait.ge [sflag:s8], $0x4000  }
0x189: {  	[sflag:s8] =	ssyncset.done $0x0  }
0x18a: {  	s12 =	rddreg [dreg:$0x11];
	[sflag:s8] =	ssyncadd.s32 $0xFFFFC000  }
0x18b: {  	[hbm4b:s12+s5] =	stream.strided.scatter [tilespmem:s4], [sflag:$0x3], $0x4000, s7, s5, $0x38;
	[tilespmem:$0xB400] =	vst v63  }
0x18c: {  	_ =	swait.ge [sflag:s11], $0x4000  }
0x18d: {  	[sflag:s11] =	ssyncset.done $0x0  }
0x18e: {  	[sflag:s11] =	ssyncadd.s32 $0xFFFFC000  }
0x18f: {  	[tilespmem:s4], [sflag:$0x1] =	stream.indirect.gather [hbm4b:s2+s6], $0x20, s22, s6, $0xb8;
	[tilespmem:$0xB400] =	vst v63  }
0x190: {  	_ =	swait.ge [sflag:s10], $0x4000  }
0x191: {  	[sflag:s10] =	ssyncset.done $0x0  }
0x192: {  	s12 =	rddreg [dreg:$0x12];
	[sflag:s10] =	ssyncadd.s32 $0xFFFFC000  }
0x193: {  	[hbm4b:s12+s5] =	stream.strided.scatter [tilespmem:s3], [sflag:$0x4], $0x4000, s7, s5, $0x38;
	[tilespmem:$0xB400] =	vst v63  }
0x194: {  	_ =	swait.ge [sflag:s9], $0x4000  }
0x195: {  	[sflag:s9] =	ssyncset.done $0x0  }
0x196: {  	[sflag:s9] =	ssyncadd.s32 $0xFFFFC000  }
0x197: {  	[tilespmem:s3], [sflag:$0x2] =	stream.indirect.gather [hbm4b:s2+s6], $0x20, s21, s6, $0xb8;
	[tilespmem:$0xB400] =	vst v63  }
0x198: {  	_ =	swait.ge [sflag:s8], $0x4000  }
0x199: {  	[sflag:s8] =	ssyncset.done $0x0  }
0x19a: {  	s12 =	rddreg [dreg:$0x13];
	[sflag:s8] =	ssyncadd.s32 $0xFFFFC000  }
0x19b: {  	[hbm4b:s12+s5] =	stream.strided.scatter [tilespmem:s4], [sflag:$0x3], $0x4000, s7, s5, $0x38;
	[tilespmem:$0xB400] =	vst v63  }
0x19c: {  	_ =	swait.ge [sflag:s11], $0x4000  }
0x19d: {  	[sflag:s11] =	ssyncset.done $0x0  }
0x19e: {  	[sflag:s11] =	ssyncadd.s32 $0xFFFFC000  }
0x19f: {  	[tilespmem:s4], [sflag:$0x1] =	stream.indirect.gather [hbm4b:s2+s6], $0x20, s20, s6, $0xb8;
	[tilespmem:$0xB400] =	vst v63  }
0x1a0: {  	_ =	swait.ge [sflag:s10], $0x4000  }
0x1a1: {  	[sflag:s10] =	ssyncset.done $0x0  }
0x1a2: {  	s12 =	rddreg [dreg:$0x14];
	[sflag:s10] =	ssyncadd.s32 $0xFFFFC000  }
0x1a3: {  	[hbm4b:s12+s5] =	stream.strided.scatter [tilespmem:s3], [sflag:$0x4], $0x4000, s7, s5, $0x38;
	[tilespmem:$0xB400] =	vst v63  }
0x1a4: {  	_ =	swait.ge [sflag:s9], $0x4000  }
0x1a5: {  	[sflag:s9] =	ssyncset.done $0x0  }
0x1a6: {  	[sflag:s9] =	ssyncadd.s32 $0xFFFFC000  }
0x1a7: {  	[tilespmem:s3], [sflag:$0x2] =	stream.indirect.gather [hbm4b:s2+s6], $0x20, s19, s6, $0xb8;
	[tilespmem:$0xB400] =	vst v63  }
0x1a8: {  	_ =	swait.ge [sflag:s8], $0x4000  }
0x1a9: {  	[sflag:s8] =	ssyncset.done $0x0  }
0x1aa: {  	s12 =	rddreg [dreg:$0x15];
	[sflag:s8] =	ssyncadd.s32 $0xFFFFC000  }
0x1ab: {  	[hbm4b:s12+s5] =	stream.strided.scatter [tilespmem:s4], [sflag:$0x3], $0x4000, s7, s5, $0x38;
	[tilespmem:$0xB400] =	vst v63  }
0x1ac: {  	_ =	swait.ge [sflag:s11], $0x4000  }
0x1ad: {  	[sflag:s11] =	ssyncset.done $0x0  }
0x1ae: {  	[sflag:s11] =	ssyncadd.s32 $0xFFFFC000  }
0x1af: {  	[tilespmem:s4], [sflag:$0x1] =	stream.indirect.gather [hbm4b:s2+s6], $0x20, s18, s6, $0xb8;
	[tilespmem:$0xB400] =	vst v63  }
0x1b0: {  	_ =	swait.ge [sflag:s10], $0x4000  }
0x1b1: {  	[sflag:s10] =	ssyncset.done $0x0  }
0x1b2: {  	s12 =	rddreg [dreg:$0x16];
	[sflag:s10] =	ssyncadd.s32 $0xFFFFC000  }
0x1b3: {  	[hbm4b:s12+s5] =	stream.strided.scatter [tilespmem:s3], [sflag:$0x4], $0x4000, s7, s5, $0x38;
	[tilespmem:$0xB400] =	vst v63  }
0x1b4: {  	_ =	swait.ge [sflag:s9], $0x4000  }
0x1b5: {  	[sflag:s9] =	ssyncset.done $0x0  }
0x1b6: {  	[sflag:s9] =	ssyncadd.s32 $0xFFFFC000  }
0x1b7: {  	[tilespmem:s3], [sflag:$0x2] =	stream.indirect.gather [hbm4b:s2+s6], $0x20, s17, s6, $0xb8;
	[tilespmem:$0xB400] =	vst v63  }
0x1b8: {  	_ =	swait.ge [sflag:s8], $0x4000  }
0x1b9: {  	[sflag:s8] =	ssyncset.done $0x0  }
0x1ba: {  	s12 =	rddreg [dreg:$0x17];
	[sflag:s8] =	ssyncadd.s32 $0xFFFFC000  }
0x1bb: {  	[hbm4b:s12+s5] =	stream.strided.scatter [tilespmem:s4], [sflag:$0x3], $0x4000, s7, s5, $0x38;
	[tilespmem:$0xB400] =	vst v63  }
0x1bc: {  	_ =	swait.ge [sflag:s11], $0x4000  }
0x1bd: {  	[sflag:s11] =	ssyncset.done $0x0  }
0x1be: {  	[sflag:s11] =	ssyncadd.s32 $0xFFFFC000  }
0x1bf: {  	[tilespmem:s4], [sflag:$0x1] =	stream.indirect.gather [hbm4b:s2+s6], $0x20, s16, s6, $0xb8;
	[tilespmem:$0xB400] =	vst v63  }
0x1c0: {  	_ =	swait.ge [sflag:s10], $0x4000  }
0x1c1: {  	[sflag:s10] =	ssyncset.done $0x0  }
0x1c2: {  	s12 =	rddreg [dreg:$0x18];
	[sflag:s10] =	ssyncadd.s32 $0xFFFFC000  }
0x1c3: {  	[hbm4b:s12+s5] =	stream.strided.scatter [tilespmem:s3], [sflag:$0x4], $0x4000, s7, s5, $0x38;
	[tilespmem:$0xB400] =	vst v63  }
0x1c4: {  	_ =	swait.ge [sflag:s9], $0x4000  }
0x1c5: {  	[sflag:s9] =	ssyncset.done $0x0  }
0x1c6: {  	[sflag:s9] =	ssyncadd.s32 $0xFFFFC000  }
0x1c7: {  	[tilespmem:s3], [sflag:$0x2] =	stream.indirect.gather [hbm4b:s2+s6], $0x20, s15, s6, $0xb8;
	[tilespmem:$0xB400] =	vst v63  }
0x1c8: {  	_ =	swait.ge [sflag:s8], $0x4000  }
0x1c9: {  	[sflag:s8] =	ssyncset.done $0x0  }
0x1ca: {  	s12 =	rddreg [dreg:$0x19];
	[sflag:s8] =	ssyncadd.s32 $0xFFFFC000  }
0x1cb: {  	[hbm4b:s12+s5] =	stream.strided.scatter [tilespmem:s4], [sflag:$0x3], $0x4000, s7, s5, $0x38;
	[tilespmem:$0xB400] =	vst v63  }
0x1cc: {  	_ =	swait.ge [sflag:s11], $0x4000  }
0x1cd: {  	[sflag:s11] =	ssyncset.done $0x0  }
0x1ce: {  	[sflag:s11] =	ssyncadd.s32 $0xFFFFC000  }
0x1cf: {  	[tilespmem:s4], [sflag:$0x1] =	stream.indirect.gather [hbm4b:s2+s6], $0x20, s14, s6, $0xb8;
	[tilespmem:$0xB400] =	vst v63  }
0x1d0: {  	_ =	swait.ge [sflag:s10], $0x4000  }
0x1d1: {  	[sflag:s10] =	ssyncset.done $0x0  }
0x1d2: {  	s12 =	rddreg [dreg:$0x1a];
	[sflag:s10] =	ssyncadd.s32 $0xFFFFC000  }
0x1d3: {  	[hbm4b:s12+s5] =	stream.strided.scatter [tilespmem:s3], [sflag:$0x4], $0x4000, s7, s5, $0x38;
	[tilespmem:$0xB400] =	vst v63  }
0x1d4: {  	_ =	swait.ge [sflag:s9], $0x4000  }
0x1d5: {  	[sflag:s9] =	ssyncset.done $0x0  }
0x1d6: {  	[sflag:s9] =	ssyncadd.s32 $0xFFFFC000  }
0x1d7: {  	[tilespmem:s3], [sflag:$0x2] =	stream.indirect.gather [hbm4b:s2+s6], $0x20, s13, s6, $0xb8;
	[tilespmem:$0xB400] =	vst v63  }
0x1d8: {  	_ =	swait.ge [sflag:s8], $0x4000  }
0x1d9: {  	[sflag:s8] =	ssyncset.done $0x0  }
0x1da: {  	s12 =	rddreg [dreg:$0x1b];
	[sflag:s8] =	ssyncadd.s32 $0xFFFFC000  }
0x1db: {  	[hbm4b:s12+s5] =	stream.strided.scatter [tilespmem:s4], [sflag:$0x3], $0x4000, s7, s5, $0x38;
	[tilespmem:$0xB400] =	vst v63  }
0x1dc: {  	_ =	swait.ge [sflag:s11], $0x4000  }
0x1dd: {  	[sflag:s11] =	ssyncset.done $0x0  }
0x1de: {  	[sflag:s11] =	ssyncadd.s32 $0xFFFFC000  }
0x1df: {  	p1 =	sne.s32 s1, $0x1;
	_ =	swait.ge [sflag:s10], $0x4000  }
.Ltmp2:
0x1e0: {  	[sflag:s10] =	ssyncset.done $0x0;
	(pc) =	sbr.rel @p1 .LBB2_4-.Ltmp2, $4  }
0x1e1: {  	s12 =	rddreg [dreg:$0x1c];
	[sflag:s10] =	ssyncadd.s32 $0xFFFFC000  }
0x1e2: {  	[hbm4b:s12+s5] =	stream.strided.scatter [tilespmem:s3], [sflag:$0x4], $0x4000, s7, s5, $0x38;
	[tilespmem:$0xB400] =	vst v63  }
0x1e3: {  	_ =	swait.ge [sflag:s9], $0x4000  }
0x1e4: {  	s1 =	sadd.s32 $0xFFFFFFFF, s1;
	s0 =	rddreg [dreg:$0x3];
	[sflag:s9] =	ssyncset.done $0x0  }
0x1e5: {  	s13 =	simm.s32 $0x1400  }
0x1e6: {  	s30 =	simm.s32 $0x1600;
	s26 =	simm.s32 $0x1800;
	s25 =	simm.s32 $0x1A00  }
0x1e7: {  	s24 =	simm.s32 $0x1C00;
	s23 =	simm.s32 $0x1E00;
	s22 =	simm.s32 $0x2000  }
0x1e8: {  	s21 =	simm.s32 $0x2200;
	s20 =	simm.s32 $0x2400;
	s19 =	simm.s32 $0x2600  }
0x1e9: {  	s18 =	simm.s32 $0x2800;
	s17 =	simm.s32 $0x2A00;
	s16 =	simm.s32 $0x2C00  }
0x1ea: {  	s15 =	simm.s32 $0x2E00;
	s14 =	simm.s32 $0x3000;
	s12 =	stileid.u32  }
.LBB2_6:
0x1eb: {  	s1 =	rddreg [dreg:$0x1d];
	[sflag:s9] =	ssyncadd.s32 @p0 $0xFFFFC000  }
0x1ec: {  	[tilespmem:s28], [sflag:$0x5] =	stream.strided.gather [hbm4b:s0+s6], $0x3400, s1, s6, $0x38;
	[tilespmem:$0xB400] =	vst v63  }
0x1ed: {  	_ =	swait.ge [sflag:s31], $0x3400  }
0x1ee: {  	[sflag:s31] =	ssyncset.done $0x0  }
0x1ef: {  	[sflag:s31] =	ssyncadd.s32 $0xFFFFCC00  }
0x1f0: {  	[tilespmem:s4], [sflag:$0x1] =	stream.indirect.gather [hbm4b:s2+s6], $0x20, s28, s6, $0xb8;
	[tilespmem:$0xB400] =	vst v63  }
0x1f1: {  	_ = 	snop  }
0x1f2: {  	[tilespmem:s3], [sflag:$0x2] =	stream.indirect.gather [hbm4b:s2+s6], $0x20, s6, s6, $0xb8;
	[tilespmem:$0xB400] =	vst v63  }
0x1f3: {  	_ =	swait.ge [sflag:s8], $0x4000  }
0x1f4: {  	[sflag:s8] =	ssyncset.done $0x0  }
0x1f5: {  	[sflag:s8] =	ssyncadd.s32 $0xFFFFC000  }
0x1f6: {  	[hbm4b:s29+s5] =	stream.strided.scatter [tilespmem:s4], [sflag:$0x3], $0x4000, s7, s5, $0x38;
	[tilespmem:$0xB400] =	vst v63  }
0x1f7: {  	_ =	swait.ge [sflag:s11], $0x4000  }
0x1f8: {  	[sflag:s11] =	ssyncset.done $0x0  }
0x1f9: {  	s1 =	rddreg [dreg:$0x1e];
	[sflag:s11] =	ssyncadd.s32 $0xFFFFC000  }
0x1fa: {  	[tilespmem:s4], [sflag:$0x1] =	stream.indirect.gather [hbm4b:s2+s6], $0x20, s1, s6, $0xb8;
	[tilespmem:$0xB400] =	vst v63  }
0x1fb: {  	_ =	swait.ge [sflag:s10], $0x4000  }
0x1fc: {  	[sflag:s10] =	ssyncset.done $0x0  }
0x1fd: {  	s28 =	rddreg [dreg:$0x4];
	[sflag:s10] =	ssyncadd.s32 $0xFFFFC000  }
0x1fe: {  	[hbm4b:s28+s5] =	stream.strided.scatter [tilespmem:s3], [sflag:$0x4], $0x4000, s7, s5, $0x38;
	[tilespmem:$0xB400] =	vst v63  }
0x1ff: {  	_ =	swait.ge [sflag:s9], $0x4000  }
0x200: {  	[sflag:s9] =	ssyncset.done $0x0  }
0x201: {  	s29 =	rddreg [dreg:$0x1f];
	[sflag:s9] =	ssyncadd.s32 $0xFFFFC000  }
0x202: {  	[tilespmem:s3], [sflag:$0x2] =	stream.indirect.gather [hbm4b:s2+s6], $0x20, s29, s6, $0xb8;
	[tilespmem:$0xB400] =	vst v63  }
0x203: {  	_ =	swait.ge [sflag:s8], $0x4000  }
0x204: {  	[sflag:s8] =	ssyncset.done $0x0  }
0x205: {  	s31 =	rddreg [dreg:$0x5];
	[sflag:s8] =	ssyncadd.s32 $0xFFFFC000  }
0x206: {  	[hbm4b:s31+s5] =	stream.strided.scatter [tilespmem:s4], [sflag:$0x3], $0x4000, s7, s5, $0x38;
	[tilespmem:$0xB400] =	vst v63  }
0x207: {  	_ =	swait.ge [sflag:s11], $0x4000  }
0x208: {  	s1 =	sld [smem:$0x7F8]  }
0x209: {  	[sflag:s11] =	ssyncset.done $0x0  }
0x20a: {  	[sflag:s11] =	ssyncadd.s32 $0xFFFFC000  }
0x20b: {  	[tilespmem:s4], [sflag:$0x1] =	stream.indirect.gather [hbm4b:s2+s6], $0x20, s1, s6, $0xb8;
	[tilespmem:$0xB400] =	vst v63  }
0x20c: {  	_ =	swait.ge [sflag:s10], $0x4000  }
0x20d: {  	[sflag:s10] =	ssyncset.done $0x0  }
0x20e: {  	s28 =	rddreg [dreg:$0x6];
	[sflag:s10] =	ssyncadd.s32 $0xFFFFC000  }
0x20f: {  	[hbm4b:s28+s5] =	stream.strided.scatter [tilespmem:s3], [sflag:$0x4], $0x4000, s7, s5, $0x38;
	[tilespmem:$0xB400] =	vst v63  }
0x210: {  	_ =	swait.ge [sflag:s9], $0x4000  }
0x211: {  	s29 =	sld [smem:$0x7F9]  }
0x212: {  	[sflag:s9] =	ssyncset.done $0x0  }
0x213: {  	[sflag:s9] =	ssyncadd.s32 $0xFFFFC000  }
0x214: {  	[tilespmem:s3], [sflag:$0x2] =	stream.indirect.gather [hbm4b:s2+s6], $0x20, s29, s6, $0xb8;
	[tilespmem:$0xB400] =	vst v63  }
0x215: {  	_ =	swait.ge [sflag:s8], $0x4000  }
0x216: {  	[sflag:s8] =	ssyncset.done $0x0  }
0x217: {  	s31 =	rddreg [dreg:$0x7];
	[sflag:s8] =	ssyncadd.s32 $0xFFFFC000  }
0x218: {  	[hbm4b:s31+s5] =	stream.strided.scatter [tilespmem:s4], [sflag:$0x3], $0x4000, s7, s5, $0x38;
	[tilespmem:$0xB400] =	vst v63  }
0x219: {  	_ =	swait.ge [sflag:s11], $0x4000  }
0x21a: {  	s1 =	sld [smem:$0x7FA]  }
0x21b: {  	[sflag:s11] =	ssyncset.done $0x0  }
0x21c: {  	[sflag:s11] =	ssyncadd.s32 $0xFFFFC000  }
0x21d: {  	[tilespmem:s4], [sflag:$0x1] =	stream.indirect.gather [hbm4b:s2+s6], $0x20, s1, s6, $0xb8;
	[tilespmem:$0xB400] =	vst v63  }
0x21e: {  	_ =	swait.ge [sflag:s10], $0x4000  }
0x21f: {  	[sflag:s10] =	ssyncset.done $0x0  }
0x220: {  	s28 =	rddreg [dreg:$0x8];
	[sflag:s10] =	ssyncadd.s32 $0xFFFFC000  }
0x221: {  	[hbm4b:s28+s5] =	stream.strided.scatter [tilespmem:s3], [sflag:$0x4], $0x4000, s7, s5, $0x38;
	[tilespmem:$0xB400] =	vst v63  }
0x222: {  	_ =	swait.ge [sflag:s9], $0x4000  }
0x223: {  	s29 =	sld [smem:$0x7FB]  }
0x224: {  	[sflag:s9] =	ssyncset.done $0x0  }
0x225: {  	[sflag:s9] =	ssyncadd.s32 $0xFFFFC000  }
0x226: {  	[tilespmem:s3], [sflag:$0x2] =	stream.indirect.gather [hbm4b:s2+s6], $0x20, s29, s6, $0xb8;
	[tilespmem:$0xB400] =	vst v63  }
0x227: {  	_ =	swait.ge [sflag:s8], $0x4000  }
0x228: {  	[sflag:s8] =	ssyncset.done $0x0  }
0x229: {  	s31 =	rddreg [dreg:$0x9];
	[sflag:s8] =	ssyncadd.s32 $0xFFFFC000  }
0x22a: {  	[hbm4b:s31+s5] =	stream.strided.scatter [tilespmem:s4], [sflag:$0x3], $0x4000, s7, s5, $0x38;
	[tilespmem:$0xB400] =	vst v63  }
0x22b: {  	_ =	swait.ge [sflag:s11], $0x4000  }
0x22c: {  	s1 =	sld [smem:$0x7FC]  }
0x22d: {  	[sflag:s11] =	ssyncset.done $0x0  }
0x22e: {  	[sflag:s11] =	ssyncadd.s32 $0xFFFFC000  }
0x22f: {  	[tilespmem:s4], [sflag:$0x1] =	stream.indirect.gather [hbm4b:s2+s6], $0x20, s1, s6, $0xb8;
	[tilespmem:$0xB400] =	vst v63  }
0x230: {  	_ =	swait.ge [sflag:s10], $0x4000  }
0x231: {  	[sflag:s10] =	ssyncset.done $0x0  }
0x232: {  	s28 =	rddreg [dreg:$0xa];
	[sflag:s10] =	ssyncadd.s32 $0xFFFFC000  }
0x233: {  	[hbm4b:s28+s5] =	stream.strided.scatter [tilespmem:s3], [sflag:$0x4], $0x4000, s7, s5, $0x38;
	[tilespmem:$0xB400] =	vst v63  }
0x234: {  	_ =	swait.ge [sflag:s9], $0x4000  }
0x235: {  	s29 =	sld [smem:$0x7FD]  }
0x236: {  	[sflag:s9] =	ssyncset.done $0x0  }
0x237: {  	[sflag:s9] =	ssyncadd.s32 $0xFFFFC000  }
0x238: {  	[tilespmem:s3], [sflag:$0x2] =	stream.indirect.gather [hbm4b:s2+s6], $0x20, s29, s6, $0xb8;
	[tilespmem:$0xB400] =	vst v63  }
0x239: {  	_ =	swait.ge [sflag:s8], $0x4000  }
0x23a: {  	[sflag:s8] =	ssyncset.done $0x0  }
0x23b: {  	s31 =	rddreg [dreg:$0xb];
	[sflag:s8] =	ssyncadd.s32 $0xFFFFC000  }
0x23c: {  	[hbm4b:s31+s5] =	stream.strided.scatter [tilespmem:s4], [sflag:$0x3], $0x4000, s7, s5, $0x38;
	[tilespmem:$0xB400] =	vst v63  }
0x23d: {  	_ =	swait.ge [sflag:s11], $0x4000  }
0x23e: {  	[sflag:s11] =	ssyncset.done $0x0  }
0x23f: {  	[sflag:s11] =	ssyncadd.s32 $0xFFFFC000  }
0x240: {  	[tilespmem:s4], [sflag:$0x1] =	stream.indirect.gather [hbm4b:s2+s6], $0x20, s13, s6, $0xb8;
	[tilespmem:$0xB400] =	vst v63  }
0x241: {  	_ =	swait.ge [sflag:s10], $0x4000  }
0x242: {  	[sflag:s10] =	ssyncset.done $0x0  }
0x243: {  	s1 =	rddreg [dreg:$0xc];
	[sflag:s10] =	ssyncadd.s32 $0xFFFFC000  }
0x244: {  	[hbm4b:s1+s5] =	stream.strided.scatter [tilespmem:s3], [sflag:$0x4], $0x4000, s7, s5, $0x38;
	[tilespmem:$0xB400] =	vst v63  }
0x245: {  	_ =	swait.ge [sflag:s9], $0x4000  }
0x246: {  	[sflag:s9] =	ssyncset.done $0x0  }
0x247: {  	[sflag:s9] =	ssyncadd.s32 $0xFFFFC000  }
0x248: {  	[tilespmem:s3], [sflag:$0x2] =	stream.indirect.gather [hbm4b:s2+s6], $0x20, s30, s6, $0xb8;
	[tilespmem:$0xB400] =	vst v63  }
0x249: {  	_ =	swait.ge [sflag:s8], $0x4000  }
0x24a: {  	[sflag:s8] =	ssyncset.done $0x0  }
0x24b: {  	s13 =	rddreg [dreg:$0xd];
	[sflag:s8] =	ssyncadd.s32 $0xFFFFC000  }
0x24c: {  	[hbm4b:s13+s5] =	stream.strided.scatter [tilespmem:s4], [sflag:$0x3], $0x4000, s7, s5, $0x38;
	[tilespmem:$0xB400] =	vst v63  }
0x24d: {  	_ =	swait.ge [sflag:s11], $0x4000  }
0x24e: {  	[sflag:s11] =	ssyncset.done $0x0  }
0x24f: {  	[sflag:s11] =	ssyncadd.s32 $0xFFFFC000  }
0x250: {  	[tilespmem:s4], [sflag:$0x1] =	stream.indirect.gather [hbm4b:s2+s6], $0x20, s26, s6, $0xb8;
	[tilespmem:$0xB400] =	vst v63  }
0x251: {  	_ =	swait.ge [sflag:s10], $0x4000  }
0x252: {  	[sflag:s10] =	ssyncset.done $0x0  }
0x253: {  	s28 =	rddreg [dreg:$0xe];
	[sflag:s10] =	ssyncadd.s32 $0xFFFFC000  }
0x254: {  	[hbm4b:s28+s5] =	stream.strided.scatter [tilespmem:s3], [sflag:$0x4], $0x4000, s7, s5, $0x38;
	[tilespmem:$0xB400] =	vst v63  }
0x255: {  	_ =	swait.ge [sflag:s9], $0x4000  }
0x256: {  	[sflag:s9] =	ssyncset.done $0x0  }
0x257: {  	[sflag:s9] =	ssyncadd.s32 $0xFFFFC000  }
0x258: {  	[tilespmem:s3], [sflag:$0x2] =	stream.indirect.gather [hbm4b:s2+s6], $0x20, s25, s6, $0xb8;
	[tilespmem:$0xB400] =	vst v63  }
0x259: {  	_ =	swait.ge [sflag:s8], $0x4000  }
0x25a: {  	[sflag:s8] =	ssyncset.done $0x0  }
0x25b: {  	s29 =	rddreg [dreg:$0xf];
	[sflag:s8] =	ssyncadd.s32 $0xFFFFC000  }
0x25c: {  	[hbm4b:s29+s5] =	stream.strided.scatter [tilespmem:s4], [sflag:$0x3], $0x4000, s7, s5, $0x38;
	[tilespmem:$0xB400] =	vst v63  }
0x25d: {  	_ =	swait.ge [sflag:s11], $0x4000  }
0x25e: {  	[sflag:s11] =	ssyncset.done $0x0  }
0x25f: {  	[sflag:s11] =	ssyncadd.s32 $0xFFFFC000  }
0x260: {  	[tilespmem:s4], [sflag:$0x1] =	stream.indirect.gather [hbm4b:s2+s6], $0x20, s24, s6, $0xb8;
	[tilespmem:$0xB400] =	vst v63  }
0x261: {  	_ =	swait.ge [sflag:s10], $0x4000  }
0x262: {  	[sflag:s10] =	ssyncset.done $0x0  }
0x263: {  	s30 =	rddreg [dreg:$0x10];
	[sflag:s10] =	ssyncadd.s32 $0xFFFFC000  }
0x264: {  	[hbm4b:s30+s5] =	stream.strided.scatter [tilespmem:s3], [sflag:$0x4], $0x4000, s7, s5, $0x38;
	[tilespmem:$0xB400] =	vst v63  }
0x265: {  	_ =	swait.ge [sflag:s9], $0x4000  }
0x266: {  	[sflag:s9] =	ssyncset.done $0x0  }
0x267: {  	[sflag:s9] =	ssyncadd.s32 $0xFFFFC000  }
0x268: {  	[tilespmem:s3], [sflag:$0x2] =	stream.indirect.gather [hbm4b:s2+s6], $0x20, s23, s6, $0xb8;
	[tilespmem:$0xB400] =	vst v63  }
0x269: {  	_ =	swait.ge [sflag:s8], $0x4000  }
0x26a: {  	[sflag:s8] =	ssyncset.done $0x0  }
0x26b: {  	s31 =	rddreg [dreg:$0x11];
	[sflag:s8] =	ssyncadd.s32 $0xFFFFC000  }
0x26c: {  	[hbm4b:s31+s5] =	stream.strided.scatter [tilespmem:s4], [sflag:$0x3], $0x4000, s7, s5, $0x38;
	[tilespmem:$0xB400] =	vst v63  }
0x26d: {  	_ =	swait.ge [sflag:s11], $0x4000  }
0x26e: {  	[sflag:s11] =	ssyncset.done $0x0  }
0x26f: {  	[sflag:s11] =	ssyncadd.s32 $0xFFFFC000  }
0x270: {  	[tilespmem:s4], [sflag:$0x1] =	stream.indirect.gather [hbm4b:s2+s6], $0x20, s22, s6, $0xb8;
	[tilespmem:$0xB400] =	vst v63  }
0x271: {  	_ =	swait.ge [sflag:s10], $0x4000  }
0x272: {  	[sflag:s10] =	ssyncset.done $0x0  }
0x273: {  	s1 =	rddreg [dreg:$0x12];
	[sflag:s10] =	ssyncadd.s32 $0xFFFFC000  }
0x274: {  	[hbm4b:s1+s5] =	stream.strided.scatter [tilespmem:s3], [sflag:$0x4], $0x4000, s7, s5, $0x38;
	[tilespmem:$0xB400] =	vst v63  }
0x275: {  	_ =	swait.ge [sflag:s9], $0x4000  }
0x276: {  	[sflag:s9] =	ssyncset.done $0x0  }
0x277: {  	[sflag:s9] =	ssyncadd.s32 $0xFFFFC000  }
0x278: {  	[tilespmem:s3], [sflag:$0x2] =	stream.indirect.gather [hbm4b:s2+s6], $0x20, s21, s6, $0xb8;
	[tilespmem:$0xB400] =	vst v63  }
0x279: {  	_ =	swait.ge [sflag:s8], $0x4000  }
0x27a: {  	[sflag:s8] =	ssyncset.done $0x0  }
0x27b: {  	s13 =	rddreg [dreg:$0x13];
	[sflag:s8] =	ssyncadd.s32 $0xFFFFC000  }
0x27c: {  	[hbm4b:s13+s5] =	stream.strided.scatter [tilespmem:s4], [sflag:$0x3], $0x4000, s7, s5, $0x38;
	[tilespmem:$0xB400] =	vst v63  }
0x27d: {  	_ =	swait.ge [sflag:s11], $0x4000  }
0x27e: {  	[sflag:s11] =	ssyncset.done $0x0  }
0x27f: {  	[sflag:s11] =	ssyncadd.s32 $0xFFFFC000  }
0x280: {  	[tilespmem:s4], [sflag:$0x1] =	stream.indirect.gather [hbm4b:s2+s6], $0x20, s20, s6, $0xb8;
	[tilespmem:$0xB400] =	vst v63  }
0x281: {  	_ =	swait.ge [sflag:s10], $0x4000  }
0x282: {  	[sflag:s10] =	ssyncset.done $0x0  }
0x283: {  	s21 =	rddreg [dreg:$0x14];
	[sflag:s10] =	ssyncadd.s32 $0xFFFFC000  }
0x284: {  	[hbm4b:s21+s5] =	stream.strided.scatter [tilespmem:s3], [sflag:$0x4], $0x4000, s7, s5, $0x38;
	[tilespmem:$0xB400] =	vst v63  }
0x285: {  	_ =	swait.ge [sflag:s9], $0x4000  }
0x286: {  	[sflag:s9] =	ssyncset.done $0x0  }
0x287: {  	[sflag:s9] =	ssyncadd.s32 $0xFFFFC000  }
0x288: {  	[tilespmem:s3], [sflag:$0x2] =	stream.indirect.gather [hbm4b:s2+s6], $0x20, s19, s6, $0xb8;
	[tilespmem:$0xB400] =	vst v63  }
0x289: {  	_ =	swait.ge [sflag:s8], $0x4000  }
0x28a: {  	[sflag:s8] =	ssyncset.done $0x0  }
0x28b: {  	s22 =	rddreg [dreg:$0x15];
	[sflag:s8] =	ssyncadd.s32 $0xFFFFC000  }
0x28c: {  	[hbm4b:s22+s5] =	stream.strided.scatter [tilespmem:s4], [sflag:$0x3], $0x4000, s7, s5, $0x38;
	[tilespmem:$0xB400] =	vst v63  }
0x28d: {  	_ =	swait.ge [sflag:s11], $0x4000  }
0x28e: {  	[sflag:s11] =	ssyncset.done $0x0  }
0x28f: {  	[sflag:s11] =	ssyncadd.s32 $0xFFFFC000  }
0x290: {  	[tilespmem:s4], [sflag:$0x1] =	stream.indirect.gather [hbm4b:s2+s6], $0x20, s18, s6, $0xb8;
	[tilespmem:$0xB400] =	vst v63  }
0x291: {  	_ =	swait.ge [sflag:s10], $0x4000  }
0x292: {  	[sflag:s10] =	ssyncset.done $0x0  }
0x293: {  	s23 =	rddreg [dreg:$0x16];
	[sflag:s10] =	ssyncadd.s32 $0xFFFFC000  }
0x294: {  	[hbm4b:s23+s5] =	stream.strided.scatter [tilespmem:s3], [sflag:$0x4], $0x4000, s7, s5, $0x38;
	[tilespmem:$0xB400] =	vst v63  }
0x295: {  	_ =	swait.ge [sflag:s9], $0x4000  }
0x296: {  	[sflag:s9] =	ssyncset.done $0x0  }
0x297: {  	[sflag:s9] =	ssyncadd.s32 $0xFFFFC000  }
0x298: {  	[tilespmem:s3], [sflag:$0x2] =	stream.indirect.gather [hbm4b:s2+s6], $0x20, s17, s6, $0xb8;
	[tilespmem:$0xB400] =	vst v63  }
0x299: {  	_ =	swait.ge [sflag:s8], $0x4000  }
0x29a: {  	[sflag:s8] =	ssyncset.done $0x0  }
0x29b: {  	s24 =	rddreg [dreg:$0x17];
	[sflag:s8] =	ssyncadd.s32 $0xFFFFC000  }
0x29c: {  	[hbm4b:s24+s5] =	stream.strided.scatter [tilespmem:s4], [sflag:$0x3], $0x4000, s7, s5, $0x38;
	[tilespmem:$0xB400] =	vst v63  }
0x29d: {  	_ =	swait.ge [sflag:s11], $0x4000  }
0x29e: {  	[sflag:s11] =	ssyncset.done $0x0  }
0x29f: {  	[sflag:s11] =	ssyncadd.s32 $0xFFFFC000  }
0x2a0: {  	[tilespmem:s4], [sflag:$0x1] =	stream.indirect.gather [hbm4b:s2+s6], $0x20, s16, s6, $0xb8;
	[tilespmem:$0xB400] =	vst v63  }
0x2a1: {  	_ =	swait.ge [sflag:s10], $0x4000  }
0x2a2: {  	[sflag:s10] =	ssyncset.done $0x0  }
0x2a3: {  	s25 =	rddreg [dreg:$0x18];
	[sflag:s10] =	ssyncadd.s32 $0xFFFFC000  }
0x2a4: {  	[hbm4b:s25+s5] =	stream.strided.scatter [tilespmem:s3], [sflag:$0x4], $0x4000, s7, s5, $0x38;
	[tilespmem:$0xB400] =	vst v63  }
0x2a5: {  	_ =	swait.ge [sflag:s9], $0x4000  }
0x2a6: {  	[sflag:s9] =	ssyncset.done $0x0  }
0x2a7: {  	[sflag:s9] =	ssyncadd.s32 $0xFFFFC000  }
0x2a8: {  	[tilespmem:s3], [sflag:$0x2] =	stream.indirect.gather [hbm4b:s2+s6], $0x20, s15, s6, $0xb8;
	[tilespmem:$0xB400] =	vst v63  }
0x2a9: {  	_ =	swait.ge [sflag:s8], $0x4000  }
0x2aa: {  	[sflag:s8] =	ssyncset.done $0x0  }
0x2ab: {  	s26 =	rddreg [dreg:$0x19];
	[sflag:s8] =	ssyncadd.s32 $0xFFFFC000  }
0x2ac: {  	[hbm4b:s26+s5] =	stream.strided.scatter [tilespmem:s4], [sflag:$0x3], $0x4000, s7, s5, $0x38;
	[tilespmem:$0xB400] =	vst v63  }
0x2ad: {  	_ =	swait.ge [sflag:s11], $0x4000  }
0x2ae: {  	[sflag:s11] =	ssyncset.done $0x0  }
0x2af: {  	[sflag:s11] =	ssyncadd.s32 $0xFFFFC000  }
0x2b0: {  	[tilespmem:s4], [sflag:$0x1] =	stream.indirect.gather [hbm4b:s2+s6], $0x20, s14, s6, $0xb8;
	[tilespmem:$0xB400] =	vst v63  }
0x2b1: {  	_ =	swait.ge [sflag:s10], $0x4000  }
0x2b2: {  	[sflag:s10] =	ssyncset.done $0x0  }
0x2b3: {  	s28 =	rddreg [dreg:$0x1a];
	[sflag:s10] =	ssyncadd.s32 $0xFFFFC000  }
0x2b4: {  	[hbm4b:s28+s5] =	stream.strided.scatter [tilespmem:s3], [sflag:$0x4], $0x4000, s7, s5, $0x38;
	[tilespmem:$0xB400] =	vst v63  }
0x2b5: {  	_ =	swait.ge [sflag:s9], $0x4000  }
0x2b6: {  	[sflag:s9] =	ssyncset.done $0x0  }
0x2b7: {  	s29 =	simm.s32 $0x3200;
	[sflag:s9] =	ssyncadd.s32 $0xFFFFC000  }
0x2b8: {  	[tilespmem:s3], [sflag:$0x2] =	stream.indirect.gather [hbm4b:s2+s6], $0x20, s29, s6, $0xb8;
	[tilespmem:$0xB400] =	vst v63  }
0x2b9: {  	_ =	swait.ge [sflag:s8], $0x4000  }
0x2ba: {  	[sflag:s8] =	ssyncset.done $0x0  }
0x2bb: {  	s30 =	rddreg [dreg:$0x1b];
	[sflag:s8] =	ssyncadd.s32 $0xFFFFC000  }
0x2bc: {  	[hbm4b:s30+s5] =	stream.strided.scatter [tilespmem:s4], [sflag:$0x3], $0x4000, s7, s5, $0x38;
	[tilespmem:$0xB400] =	vst v63  }
0x2bd: {  	_ =	swait.ge [sflag:s11], $0x4000  }
0x2be: {  	[sflag:s11] =	ssyncset.done $0x0  }
0x2bf: {  	[sflag:s11] =	ssyncadd.s32 $0xFFFFC000  }
0x2c0: {  	_ =	swait.ge [sflag:s10], $0x4000  }
0x2c1: {  	[sflag:s10] =	ssyncset.done $0x0  }
0x2c2: {  	s31 =	rddreg [dreg:$0x1c];
	[sflag:s10] =	ssyncadd.s32 $0xFFFFC000  }
0x2c3: {  	[hbm4b:s31+s5] =	stream.strided.scatter [tilespmem:s3], [sflag:$0x4], $0x4000, s7, s5, $0x38;
	[tilespmem:$0xB400] =	vst v63  }
0x2c4: {  	_ =	swait.ge [sflag:s9], $0x4000  }
0x2c5: {  	[sflag:s9] =	ssyncset.done $0x0  }
0x2c6: {  	[sflag:s9] =	ssyncadd.s32 $0xFFFFC000  }
0x2c7: {  	_ =	sfence.sel $0x180000  }
0x2c8: {  	[bflag:$0x0] =	sbarrier.arrive $0xFFFF  }
0x2c9: {  	_ =	strace $0x90000047  }
0x2ca: {  	[bflag:$0x2] =	sbarrier.arrive $0xFFFF  }
0x2cb: {  	p0 =	sne.s32 s12, $0x0;
	s0 =	rddreg [dreg:$0x2]  }
0x2cc: {  	s0 =	sadd.s32 @!p0 $0x100000, s0  }
0x2cd: {  	[sflag:s0] =	ssyncadd.tile.s32 @!p0 $0x1;
	_ =	shalt  }
.LBB2_1:
0x2ce: {  	s13 =	simm.s32 $0x1400  }
.Ltmp3:
0x2cf: {  	s30 =	simm.s32 $0x1600;
	s26 =	simm.s32 $0x1800;
	(pc) =	sbr.rel .LBB2_6-.Ltmp3, $4  }
0x2d0: {  	s25 =	simm.s32 $0x1A00;
	s24 =	simm.s32 $0x1C00;
	s23 =	simm.s32 $0x1E00  }
0x2d1: {  	s22 =	simm.s32 $0x2000;
	s21 =	simm.s32 $0x2200;
	s20 =	simm.s32 $0x2400  }
0x2d2: {  	s19 =	simm.s32 $0x2600;
	s18 =	simm.s32 $0x2800;
	s17 =	simm.s32 $0x2A00  }
0x2d3: {  	s16 =	simm.s32 $0x2C00;
	s15 =	simm.s32 $0x2E00;
	s14 =	simm.s32 $0x3000  }
.LBB2_3:
0x2d4: {  	s13 =	simm.s32 $0x1400;
	s30 =	simm.s32 $0x1600  }
.Ltmp4:
0x2d5: {  	s26 =	simm.s32 $0x1800;
	s25 =	simm.s32 $0x1A00;
	(pc) =	sbr.rel .LBB2_6-.Ltmp4, $4  }
0x2d6: {  	s24 =	simm.s32 $0x1C00;
	s23 =	simm.s32 $0x1E00;
	s22 =	simm.s32 $0x2000  }
0x2d7: {  	s21 =	simm.s32 $0x2200;
	s20 =	simm.s32 $0x2400;
	s19 =	simm.s32 $0x2600  }
0x2d8: {  	s18 =	simm.s32 $0x2800;
	s17 =	simm.s32 $0x2A00;
	s16 =	simm.s32 $0x2C00  }
0x2d9: {  	s15 =	simm.s32 $0x2E00;
	s14 =	simm.s32 $0x3000;
	s12 =	stileid.u32  }
.Lfunc_end2:
_tile_overlayer_lowered:
.L_overlay_start_2:
0x2da: {  	(tag) =	ssettag $0x2  }
0x2db: {  	s0 =	rddreg [dreg:$0x0];
	s2 =	stileid.u32  }
0x2dc: {  	s1 =	rddreg [dreg:$0x1];
	p0 =	sne.s32 s2, $0x0  }
0x2dd: {  	s3 =	rddreg [dreg:$0x2];
	[bflag:$0x3] =	sbarrier.arrive $0xFFFF;
	s2 =	simm.s32 @!p0 $0x1C05  }
0x2de: {  	[timem:s3], [sflag:s2] =	dma.local @!p0 [hbm:s0], s1  }
0x2df: {  	s0 =	simm.s32 @!p0 $0x5  }
0x2e0: {  	_ =	swait.ge @!p0 [sflag:s0], s1  }
0x2e1: {  	s1 =	ssub.s32 @!p0 $0x0, s1;
	[sflag:s0] =	ssyncset.done @!p0 $0x0  }
0x2e2: {  	[sflag:s0] =	ssyncadd.s32 @!p0 s1  }
0x2e3: {  	[bflag:$0x3] =	sbarrier.arrive $0xFFFF  }
0x2e4: {  	_ =	shalt  }

// kernel: sparse-core-data-format-call.cloned.1.call-start
scs
called_computation_lowered:
.L_overlay_start_0:
0x0: {  	s2 =	sld [smem:$0x3FD9]  }
0x1: {  	s3 =	sld [smem:$0x3FFE];
	_ =	sdelay $0x1  }
0x2: {  	s1 =	srdreg.scid  }
0x3: {  	s0 =	sand.u32 $0x1, s1  }
0x4: {  	s18 =	sshll.u32 s0, $0xA;
	s2 =	sadd.s32 s3, s2  }
0x5: {  	s2 =	sadd.s32 s2, s18  }
0x6: {  	[smem:$0x3FC6] =	sst s2  }
0x7: {  	_ = 	snop  }
0x8: {  	s2 =	sld [smem:$0x3FD0];
	(tm) =	ssettm $0x1  }
0x9: {  	s19 =	sld [smem:$0x3FFB];
	_ =	sdelay $0x3  }
0xa: {  	_ =	strace s19  }
0xb: {  	s3 =	sld [smem:$0x3FFC];
	_ =	sdelay $0x3  }
0xc: {  	_ =	strace s3  }
0xd: {  	s3 =	sld [smem:$0x3FFD];
	_ =	sdelay $0x3  }
0xe: {  	_ =	strace s3  }
0xf: {  	_ =	strace $0x8FFFFFFF  }
0x10: {  	s20 =	sld [smem:$0x3FDB];
	_ =	sdelay $0x1  }
0x11: {  	s4 =	simm.s32 $_scs_section_size  }
0x12: {  	s5 =	simm.s32 $_size__tile_overlayer_lowered;
	s6 =	simm.s32 $_tile_overlayer_lowered  }
0x13: {  	s23 =	simm.s32 $0x1BFF;
	s22 =	sshll.u32 s6, $0x1;
	s3 =	sadd.s32 s4, s20  }
0x14: {  	s7 =	simm.s32 $0x0;
	s21 =	sshll.u32 s5, $0x1;
	s5 =	sadd.s32 s22, s3  }
0x15: {  	[timem:s7], [sflag:s23] =	dma.local [hbm:s5], s21  }
0x16: {  	_ =	swait.ge [sflag:s23], s21  }
0x17: {  	s4 =	ssub.s32 $0x0, s21;
	[sflag:s23] =	ssyncset.done $0x0  }
0x18: {  	[sflag:s23] =	ssyncadd.s32 s4;
	_ =	sdelay $0x1  }
0x19: {  	s24 =	simm.s32 $0x1B8B  }
0x1a: {  	_ =	swait.ge [sflag:s24], $0x1  }
0x1b: {  	[sflag:s24] =	ssyncset.done $0x0  }
0x1c: {  	s26 =	simm.s32 $0x1B8E;
	s25 =	sld [smem:$0x3FFE];
	[sflag:s24] =	ssyncadd.s32 $0xFFFFFFFF  }
0x1d: {  	s27 =	simm.s32 $execute0_lowered;
	[smem:$0x3FD2] =	sst s26  }
0x1e: {  	s5 =	sshll.u32 s27, $0x1;
	_ =	strace $0x80000049;
	[dreg:$0x1] =	wrdreg $0xFFFFFFFF  }
0x1f: {  	s28 =	simm.s32 $_size_execute0_lowered;
	s3 =	sadd.s32 s3, s5;
	[dreg:$0x0] =	wrdreg $0x0  }
0x20: {  	s5 =	sshll.u32 s28, $0x1;
	[dreg:$0x2] =	wrdreg s3  }
0x21: {  	[dreg:$0x3] =	wrdreg s5  }
0x22: {  	[dreg:$0x4] =	wrdreg $0xC0  }
0x23: {  	_ =	task [dreg:s7], $0x5FFFF  }
0x24: {  	[dreg:$0x1] =	wrdreg $0xFFFFFFFF  }
0x25: {  	[dreg:$0x0] =	wrdreg $0x60  }
0x26: {  	[dreg:$0x2] =	wrdreg s25  }
0x27: {  	[dreg:$0x3] =	wrdreg s2  }
0x28: {  	[dreg:$0x4] =	wrdreg $0x9  }
0x29: {  	_ =	task.clear_ibuf [dreg:s7], $0x5FFFF;
	_ =	strace $0x90000049  }
0x2a: {  	s29 =	simm.s32 $0x9;
	_ =	strace $0x8000004B  }
0x2b: {  	_ =	swait.ge [sflag:s29], $0x1  }
0x2c: {  	[sflag:s29] =	ssyncadd.s32 $0xFFFFFFFF  }
0x2d: {  	_ =	strace $0x9000004B  }
0x2e: {  	_ =	sfence  }
0x2f: {  	s30 =	sld [smem:$0x0];
	_ =	sdelay $0x2  }
0x30: {  	s31 =	sshll.u32 s1, $0xD;
	s1 =	sshrl.u32 s1, $0x2  }
0x31: {  	s3 =	sand.u32 $0x4000, s31;
	s1 =	sadd.s32 s1, s30  }
0x32: {  	s0 =	sor.u32 s3, s0;
	s1 =	sshll.u32 s1, $0x11  }
0x33: {  	s0 =	sor.u32 s1, s0  }
0x34: {  	s0 =	sadd.s32 $0x8F2B, s0  }
0x35: {  	[sflag:s0] =	ssyncadd.remote.s32 $0x1  }
0x36: {  	_ =	sfence.sel $0xFFFF  }
0x37: {  	[dreg:$0x0] =	wrdreg $0xFFFFFFFF;
	(pc) =	sbr.abs _section_cstart, $3  }
0x38: {  	[dreg:$0x1] =	wrdreg $0xFFFFFFFF  }
0x39: {  	_ =	task.clear_ibuf [dreg:s7], $0x2FFFF;
	_ =	strace $0x9FFFFFFF  }
0x3a: {  	(tm) =	ssettm $0x7FFFFFFF  }
0x3b: {  	_ =	shalt  }
tec
execute0_lowered:
.L_overlay_start_1:
0x0: {  	(tag) =	ssettag $0x1  }
0x1: {  	s0 =	srdreg.scid  }
0x2: {  	s1 =	sshll.u32 s0, $0x4  }
0x3: {  	s0 =	stileid.u32;
	s1 =	sand.u32 $0x10, s1  }
0x4: {  	s1 =	sor.u32 s0, s1  }
0x5: {  	s6 =	rddreg [dreg:$0x0];
	s4 =	simm.s32 $0x1;
	s2 =	sshll.u32 s1, $0x7  }
0x6: {  	s7 =	simm.s32 $0x2;
	s12 =	simm.s32 $0x0;
	s1 =	ssub.s32 $0x4000, s2  }
0x7: {  	s8 =	simm.s32 $0x20000;
	s13 =	simm.s32 $0x0;
	s3 =	sand.u32 $0xF80, s1  }
0x8: {  	s9 =	simm.s32 $0x0;
	s5 =	sshrl.u32 s1, $0xC;
	p0 =	sne.s32 s3, $0x0  }
.Ltmp0:
0x9: {  	s1 =	rddreg [dreg:$0x2];
	s4 =	simm.s32 @!p0 $0x0;
	(pc) =	sbr.rel .LBB1_1-.Ltmp0, $4  }
0xa: {  	s11 =	simm.s32 $0x0;
	s3 =	rddreg [dreg:$0x1];
	s5 =	sadd.s32 s4, s5  }
0xb: {  	_ =	strace $0x8000004A;
	s4 =	simm.s32 $0x1;
	s5 =	smul.u32 $0x1A, s5  }
0xc: {  	s6 =	sadd.s32 $0xA00, s6;
	s10 =	smov.u32 s2;
	[sflag:s4] =	ssyncpa.u1 $0x0  }
0xd: {  	p0 =	por $0x0, $0x0;
	[sflag:s7] =	ssyncpa.u1 $0x0;
	s7 =	sor.u32 $0x1, s5  }
.LBB1_4:
0xe: {  	s16 =	sshll.u32 s13, $0x3;
	s17 =	sand.u32 $0x78, s13  }
0xf: {  	s30 =	sand.u32 $0xF800, s13;
	s12 =	sshll.u32 s12, $0x10;
	s16 =	sand.u32 $0x3C00, s16  }
0x10: {  	s31 =	sand.u32 $0x7, s13;
	s16 =	sor.u32 s17, s16;
	s17 =	sadd.s32 s3, s30  }
0x11: {  	s13 =	sshll.u32 s31, $0x12;
	s16 =	sshrl.u32 s16, $0x3;
	s12 =	sadd.s32 s12, s17  }
0x12: {  	[tilespmem:s15+$0x0 ss:$0x81] =	vst.msk $0xffff, v0;
	s13 =	sor.u32 $0x400, s13;
	s12 =	sadd.s32 s16, s12  }
0x13: {  	[hbm4b:s12+s13] =	stream.strided.scatter [tilespmem:s14], [sflag:$0x2], $0x1000, s8, s13, $0x20;
	[tilespmem:$0x4040] =	vst v63  }
.LBB1_5:
0x14: {  	s14 =	sadd.s32 $0x1, s9  }
0x15: {  	s12 =	sadd.s32 $0x1000, s10;
	s16 =	smov.u32 s10;
	p2 =	sgt.s32 s14, $0x19  }
0x16: {  	s16 =	smov.u32 @p2 s12  }
0x17: {  	s14 =	simm.s32 @p2 $0x0;
	p2 =	sgt.s32 s16, $0x3FFF  }
0x18: {  	s16 =	smov.u32 @p2 s2;
	p2 =	sne.s32 s11, s7  }
.Ltmp1:
0x19: {  	p1 =	slt.u32 s11, $0x2;
	(pc) =	sbr.rel @!p2 .LBB1_6-.Ltmp1, $4  }
0x1a: {  	s15 =	simm.s32 @!p1 $0x2  }
0x1b: {  	s13 =	smov.u32 s10;
	p0 =	por !p0, !p0;
	_ =	swait.ge @!p1 [sflag:s15], $0x1000  }
0x1c: {  	s12 =	smov.u32 s9;
	[sflag:s15] =	ssyncset.done @!p1 $0x0;
	s9 =	smov.u32 s14  }
0x1d: {  	s11 =	sadd.s32 $0x1, s11;
	[sflag:s15] =	ssyncadd.s32 @!p1 $0xFFFFF000;
	s10 =	smov.u32 s16  }
.LBB1_1:
0x1e: {  	p1 =	sge.u32 s11, s5  }
0x1f: {  	s31 =	sadd.s32 $0xFFFFFFFF, s11;
	s14 =	sxor.u32 @!p1 $0xFFFFFFFF, s11  }
0x20: {  	s15 =	sshll.u32 @!p1 s10, $0x9;
	s16 =	sshll.u32 @!p1 s9, $0x4;
	s17 =	simm.s32 @!p1 $0x1000  }
0x21: {  	s14 =	sshll.u32 @!p1 s14, $0xC;
	s16 =	sand.u32 @!p1 $0x1F0, s16;
	s15 =	sadd.s32 @!p1 s6, s15  }
0x22: {  	s14 =	sand.u32 @!p1 $0x1000, s14;
	s15 =	sadd.s32 @!p1 s16, s15;
	s16 =	simm.s32 @!p1 $0x20  }
0x23: {  	[tilespmem:s14], [sflag:$0x1] =	stream.strided.gather @!p1 [hbm4b:s15+s16], $0x1000, s17, s16, $0x38;
	[tilespmem:$0x4040] =	vst v63  }
0x24: {  	p1 =	sge.u32 s31, s5  }
.Ltmp2:
0x25: {  	_ = 	snop;
	(pc) =	sbr.rel @p1 .LBB1_5-.Ltmp2, $1  }
0x26: {  	_ =	sdelay $0x3  }
0x27: {  	s14 =	simm.s32 $0x1  }
0x28: {  	_ =	swait.ge [sflag:s4], $0x1000;
	s14 =	simm.s32 @!p0 $0x0  }
0x29: {  	[sflag:s4] =	ssyncset.done $0x0;
	s15 =	sshll.u32 s14, $0xC  }
0x2a: {  	[sflag:s4] =	ssyncadd.s32 $0xFFFFF000;
	s18 =	sor.u32 $0x10, s15  }
0x2b: {  	s14 =	smul.u32 $0x4080, s14;
	v1 =	vld [tilespmem:s18+$0x0]  }
0x2c: {  	s30 =	sand.u32 $0x1, s11;
	v0 =	vld [tilespmem:s18+$0xFFFFFFF0]  }
0x2d: {  	s15 =	smul.u32 $0x4080, s30;
	s14 =	sshrl.u32 s14, $0x2  }
0x2e: {  	s16 =	sor.u32 $0x2000, s14  }
0x2f: {  	s31 =	sshrl.u32 s15, $0x2;
	s15 =	sadd.s32 $0x0, s16  }
0x30: {  	s17 =	simm.s32 $0x4;
	s18 =	sadd.s32 $0x20, s18;
	s14 =	sor.u32 $0x2000, s31;
	[tilespmem:s15+$0x810 ss:$0x81] =	vst.msk $0xffff, v1  }
.LBB1_3:
0x31: {  	v1 =	vld [tilespmem:s18+$0x0];
	p1 =	sne.s32 s17, $0x1FC;
	[tilespmem:s15+$0x0 ss:$0x81] =	vst.msk $0xffff, v0;
	s15 =	smov.u32 s17;
	s17 =	sadd.s32 $0x4, s17  }
.Ltmp3:
0x32: {  	v0 =	vld [tilespmem:s18+$0xFFFFFFF0];
	(pc) =	sbr.rel @p1 .LBB1_3-.Ltmp3, $4  }
0x33: {  	_ = 	snop  }
0x34: {  	s15 =	sshra.s32 s15, $0x2  }
0x35: {  	s15 =	sadd.s32 s15, s16  }
0x36: {  	s18 =	sadd.s32 $0x20, s18;
	[tilespmem:s15+$0x810 ss:$0x81] =	vst.msk $0xffff, v1  }
.Ltmp4:
0x37: {  	_ = 	snop;
	(pc) =	sbr.rel .LBB1_4-.Ltmp4, $1  }
0x38: {  	_ =	sdelay $0x3  }
.LBB1_6:
0x39: {  	_ =	sfence.sel $0x180000  }
0x3a: {  	s2 =	simm.s32 $0x1;
	[bflag:$0x0] =	sbarrier.arrive $0xFFFF  }
0x3b: {  	s31 =	simm.s32 $0x2;
	[sflag:s2] =	ssyncpa.u1 $0x1  }
0x3c: {  	[sflag:s31] =	ssyncpa.u1 $0x1  }
0x3d: {  	p0 =	sne.s32 s0, $0x0;
	_ =	strace $0x9000004A  }
0x3e: {  	s0 =	sadd.s32 @!p0 $0x100000, s1;
	[bflag:$0x2] =	sbarrier.arrive $0xFFFF  }
0x3f: {  	[sflag:s0] =	ssyncadd.tile.s32 @!p0 $0x1;
	_ =	shalt  }
.Lfunc_end1:
_tile_overlayer_lowered:
.L_overlay_start_2:
0x40: {  	(tag) =	ssettag $0x2  }
0x41: {  	s0 =	rddreg [dreg:$0x0];
	s2 =	stileid.u32  }
0x42: {  	s1 =	rddreg [dreg:$0x1];
	p0 =	sne.s32 s2, $0x0  }
0x43: {  	s3 =	rddreg [dreg:$0x2];
	[bflag:$0x3] =	sbarrier.arrive $0xFFFF;
	s2 =	simm.s32 @!p0 $0x1C01  }
0x44: {  	[timem:s3], [sflag:s2] =	dma.local @!p0 [hbm:s0], s1  }
0x45: {  	s0 =	simm.s32 @!p0 $0x1  }
0x46: {  	_ =	swait.ge @!p0 [sflag:s0], s1  }
0x47: {  	s1 =	ssub.s32 @!p0 $0x0, s1;
	[sflag:s0] =	ssyncset.done @!p0 $0x0  }
0x48: {  	[sflag:s0] =	ssyncadd.s32 @!p0 s1  }
0x49: {  	[bflag:$0x3] =	sbarrier.arrive $0xFFFF  }
0x4a: {  	_ =	shalt  }

</sc_bundles>
